<compile_context>
chip_gen: v7x
topology: tpu7x:2x2x1
jax: 0.10.2.dev20260603
libtpu: 0.0.44.dev20260713+nightly
codegen_flags: <defaults>
</compile_context>

<pallas_src>
import functools

import jax
import jax.numpy as jnp
from jax import lax
from jax.experimental import pallas as pl
from jax.experimental.pallas import tpu as pltpu
from jax.experimental.pallas import tpu_sc as plsc



def _conv_layer_body(x_ref, w_ref, b_ref, o_ref, *, c, ho, wo, wp, wop,
                     cout, pad_out, relu):
    x = x_ref[0]
    hp = x.shape[1]
    xr = x.reshape(c, hp // 2, 2, wp)
    pe = xr[:, :, 0, :]
    po = xr[:, :, 1, :]
    rows = (pe[:, 0:ho], po[:, 0:ho], pe[:, 1:ho + 1])

    ii = lax.broadcasted_iota(jnp.int32, (wp, 3 * wop), 0)
    jj = lax.broadcasted_iota(jnp.int32, (wp, 3 * wop), 1)
    dx = jj // wop
    xq = jj % wop
    sel = ((ii == 2 * xq + dx) & (xq < wo)).astype(jnp.bfloat16)

    taps = []
    for dy in range(3):
        r = rows[dy].reshape(c * ho, wp)
        m = jnp.dot(r.astype(jnp.bfloat16), sel,
                    preferred_element_type=jnp.float32)
        for dxi in range(3):
            taps.append(m[:, dxi * wop:(dxi + 1) * wop].reshape(c, ho, wop))
    p = jnp.concatenate(taps, axis=0).reshape(9 * c, ho * wop)

    y = jnp.dot(w_ref[...].astype(jnp.bfloat16), p.astype(jnp.bfloat16),
                preferred_element_type=jnp.float32)
    y = y + b_ref[...]
    if relu:
        y = jnp.maximum(y, 0.0)
    y = y.reshape(cout, ho, wop)
    if pad_out:
        o_ref[0] = jnp.zeros(o_ref.shape[1:], jnp.float32)
        o_ref[0, :, 1:ho + 1, 1:wo + 1] = y[:, :, 0:wo]
    else:
        o_ref[0] = y


def _conv_layer(xp, w, b, ho, wo, wop, wnext, relu, pad_out):
    bsz, c, hp, wp = xp.shape
    cout = w.shape[0]
    wt = jnp.transpose(w, (2, 3, 1, 0)).reshape(9 * c, cout).T
    if pad_out:
        oshape = (bsz, cout, ho + 2, wnext)
    else:
        oshape = (bsz, cout, ho, wop)
    return pl.pallas_call(
        functools.partial(_conv_layer_body, c=c, ho=ho, wo=wo, wp=wp,
                          wop=wop, cout=cout, pad_out=pad_out, relu=relu),
        grid=(bsz,),
        in_specs=[
            pl.BlockSpec((1, c, hp, wp), lambda bi: (bi, 0, 0, 0)),
            pl.BlockSpec((cout, 9 * c), lambda bi: (0, 0)),
            pl.BlockSpec((cout, 1), lambda bi: (0, 0)),
        ],
        out_specs=pl.BlockSpec((1,) + oshape[1:], lambda bi: (bi, 0, 0, 0)),
        out_shape=jax.ShapeDtypeStruct(oshape, jnp.float32),
    )(xp, wt, b.reshape(cout, 1))



def _vq_body(f_ref, cb_ref, tok_ref):
    f = f_ref[0]
    cb = cb_ref[...]
    scores = jnp.dot(cb.astype(jnp.bfloat16), f.astype(jnp.bfloat16),
                     preferred_element_type=jnp.float32)
    cbsq = jnp.sum(cb * cb, axis=1, keepdims=True)
    fsq = jnp.sum(f * f, axis=0, keepdims=True)
    sq = jnp.maximum(cbsq + fsq - 2.0 * scores, 0.0)
    m = jnp.min(sq, axis=0, keepdims=True)
    ki = lax.broadcasted_iota(jnp.int32, sq.shape, 0)
    idx = jnp.min(jnp.where(sq <= m, ki, jnp.int32(2 ** 30)), axis=0,
                  keepdims=True)
    tok_ref[0] = idx


def _vq_tokens(feats_cm, codebook, tile_n):
    bsz, c, n = feats_cm.shape
    k = codebook.shape[0]
    toks = pl.pallas_call(
        _vq_body,
        grid=(bsz, n // tile_n),
        in_specs=[
            pl.BlockSpec((1, c, tile_n), lambda bi, j: (bi, 0, j)),
            pl.BlockSpec((k, c), lambda bi, j: (0, 0)),
        ],
        out_specs=pl.BlockSpec((1, 1, tile_n), lambda bi, j: (bi, 0, j)),
        out_shape=jax.ShapeDtypeStruct((bsz, 1, n), jnp.int32),
    )(feats_cm, codebook)
    return toks.reshape(bsz, n)



_NC = 2
_NS = 16
_NW = _NC * _NS
_CHUNK = 96
_NCHUNK = 3
_BPW = _CHUNK * _NCHUNK


def _sc_gather_body(emb_hbm, idx_hbm, out_hbm, idx_v, rows_v, tbl_sh, sem):
    sid = lax.axis_index("s")
    wid = sid * _NC + lax.axis_index("c")
    base = wid * _BPW

    @pl.when(sid == 0)
    def _stage():
        pltpu.sync_copy(emb_hbm, tbl_sh)
    plsc.subcore_barrier()

    for ch in range(_NCHUNK):
        pltpu.sync_copy(idx_hbm.at[pl.ds(base + ch * _CHUNK, _CHUNK)],
                        idx_v.at[ch])
    copies = []
    for ch in range(_NCHUNK):
        copies.append(pltpu.async_copy(
            tbl_sh.at[idx_v.at[ch]],
            rows_v.at[pl.ds(ch * _CHUNK, _CHUNK)], sem))
    for cp in copies:
        cp.wait()
    pltpu.sync_copy(rows_v, out_hbm.at[pl.ds(base, _BPW)])


def _sc_gather(embedding, tokens_flat):
    total = tokens_flat.shape[0]
    d = embedding.shape[1]
    assert d % 128 == 0 and total == _NW * _BPW
    mesh = plsc.VectorSubcoreMesh(core_axis_name="c", subcore_axis_name="s")
    fn = functools.partial(
        pl.kernel,
        mesh=mesh,
        out_type=jax.ShapeDtypeStruct((total, d), jnp.float32),
        scratch_types=[
            pltpu.VMEM((_NCHUNK, _CHUNK), jnp.int32),
            pltpu.VMEM((_BPW, d), jnp.float32),
            pltpu.VMEM_SHARED((8192, d), jnp.float32),
            pltpu.SemaphoreType.DMA,
        ],
    )(_sc_gather_body)
    return fn(embedding, tokens_flat)



def kernel(image, w1, b1, w2, b2, w3, b3, codebook, embedding,
           resolution_level=0):
    bsz = image.shape[0]
    h = image.shape[2]
    h1, h2, h3 = h // 2, h // 4, h // 8

    xp = jnp.pad(image, ((0, 0), (0, 0), (1, 1), (1, 127)))
    a1 = _conv_layer(xp, w1, b1, ho=h1, wo=h1, wop=256, wnext=256,
                     relu=True, pad_out=True)
    a2 = _conv_layer(a1, w2, b2, ho=h2, wo=h2, wop=128, wnext=128,
                     relu=True, pad_out=True)
    a3 = _conv_layer(a2, w3, b3, ho=h3, wo=h3, wop=128, wnext=0,
                     relu=False, pad_out=False)

    feats_cm = a3[:, :, :, :h3].reshape(bsz, 64, h3 * h3)
    tokens = _vq_tokens(feats_cm, codebook, tile_n=384)

    d = embedding.shape[1]
    emb_pad = jnp.pad(embedding, ((0, 0), (0, (-d) % 128)))
    emb = _sc_gather(emb_pad, tokens.reshape(-1))
    emb = emb[:, :d].reshape(bsz, h3 * h3, d)
    return tokens, emb

# --- scband reference (transcript-rebuilt; emitter-appended) ---
"""Pipeline reference for scband-image-encoder-25838523253482 (READ-ONLY COPY).

The authoritative reference and input builder live on the scoring server;
editing this copy changes nothing except your own understanding.
"""

import jax, jax.numpy as jnp
import numpy as np

def _conv(x, w, b, stride):
    y = jax.lax.conv_general_dilated(x, w, window_strides=(stride, stride), padding=((1, 1), (1, 1)), dimension_numbers=('NCHW', 'OIHW', 'NCHW'))
    return y + b[None, :, None, None]

def setup_inputs(seed: int = 0):
    key = jax.random.key(seed)
    ks = jax.random.split(key, 10)
    B, H = 4, 384
    hidden = 64
    vocab = 8192
    image = jax.random.normal(ks[0], (B, 3, H, H), dtype=jnp.float32)
    def kinit(k, shape, fan_in):
        bound = 1.0 / np.sqrt(fan_in)
        return jax.random.uniform(k, shape, jnp.float32, -bound, bound)
    w1 = kinit(ks[1], (hidden // 4, 3, 3, 3), 3 * 9)
    b1 = kinit(ks[2], (hidden // 4,), 3 * 9)
    w2 = kinit(ks[3], (hidden // 2, hidden // 4, 3, 3), (hidden // 4) * 9)
    b2 = kinit(ks[4], (hidden // 2,), (hidden // 4) * 9)
    w3 = kinit(ks[5], (hidden, hidden // 2, 3, 3), (hidden // 2) * 9)
    b3 = kinit(ks[6], (hidden,), (hidden // 2) * 9)
    codebook = jax.random.normal(ks[7], (vocab, hidden), dtype=jnp.float32)
    embedding = jax.random.normal(ks[8], (vocab, hidden), dtype=jnp.float32)
    return {"image": image, "w1": w1, "b1": b1, "w2": w2, "b2": b2, "w3": w3, "b3": b3, "codebook": codebook, "embedding": embedding, "resolution_level": 0}

def reference(image, w1, b1, w2, b2, w3, b3, codebook, embedding, resolution_level=0):
    f = _conv(image, w1, b1, 2)
    f = jax.nn.relu(f)
    f = _conv(f, w2, b2, 2)
    f = jax.nn.relu(f)
    f = _conv(f, w3, b3, 2)
    B, C, H, W = f.shape
    feats = jnp.transpose(f.reshape(B, C, H * W), (0, 2, 1))
    sq = jnp.sum(feats ** 2, axis=-1, keepdims=True) + jnp.sum(codebook ** 2, axis=-1)[None, None, :] - 2.0 * jnp.einsum('bnc,kc->bnk', feats, codebook)
    dist = jnp.sqrt(jnp.maximum(sq, 0.0))
    tokens = jnp.argmin(dist, axis=-1)
    emb = jnp.take(embedding, tokens, axis=0)
    return tokens, emb

if __name__ == "__main__":
    import jax
    _d = setup_inputs()
    print(jax.jit(kernel)(*tuple(_d.values())))

</pallas_src>

<mosaic_0001>
#map = affine_map<(d0, d1) -> (0, 0)>
#map1 = affine_map<(d0, d1) -> (0)>
module attributes {stable_mosaic.version = 14 : i64} {
  func.func @_sc_gather_body(%arg0: i32, %arg1: i32, %arg2: memref<8192x128xf32, #tpu.memory_space<hbm>>, %arg3: memref<9216xi32, #tpu.memory_space<hbm>>, %arg4: memref<9216x128xf32, #tpu.memory_space<hbm>>, %arg5: memref<3x96xi32, #tpu.memory_space<vmem>>, %arg6: memref<288x128xf32, #tpu.memory_space<vmem>>, %arg7: memref<8192x128xf32, #tpu.memory_space<vmem_shared>>, %arg8: memref<!tpu.dma_semaphore, #tpu.memory_space<semaphore_mem>>) attributes {dimension_semantics = [#tpu.dimension_semantics<core_parallel>, #tpu.dimension_semantics<subcore_parallel>], iteration_bounds = array<i64: 2, 16>, scalar_prefetch = 0 : i64, scratch_operands = 4 : i64, tpu.core_type = #tpu.core_type<sc_vector_subcore>, window_params = [{transform_indices = #map}, {transform_indices = #map1}, {transform_indices = #map}]} {
    %mul3A = arith.constant 2 : i32
    %mul3A_0 = arith.muli %arg1, %mul3A : i32
    %add3A = arith.addi %mul3A_0, %arg0 : i32
    %mul3A_1 = arith.constant 288 : i32
    %mul3A_2 = arith.muli %add3A, %mul3A_1 : i32
    %eq3A = arith.constant 0 : i32
    %eq3A_3 = arith.cmpi eq, %arg1, %eq3A : i32
    %convert_element_type3A = arith.extui %eq3A_3 : i1 to i32
    %cond3A = arith.constant 0 : i32
    %cond3A_4 = arith.cmpi ne, %convert_element_type3A, %cond3A : i32
    scf.if %cond3A_4 {
      "tpu.region"() ({
        %run_scoped3A_71 = tpu.sem_alloc : memref<!tpu.dma_semaphore, #tpu.memory_space<semaphore_mem>>
        tpu.enqueue_dma source(%arg2 : memref<8192x128xf32, #tpu.memory_space<hbm>>) target(%arg7 : memref<8192x128xf32, #tpu.memory_space<vmem_shared>>) target_semaphore(%run_scoped3A_71 : memref<!tpu.dma_semaphore, #tpu.memory_space<semaphore_mem>>)
        tpu.wait_dma2 semaphore(%run_scoped3A_71 : memref<!tpu.dma_semaphore, #tpu.memory_space<semaphore_mem>>) src(%arg2 : memref<8192x128xf32, #tpu.memory_space<hbm>>) dst(%arg7 : memref<8192x128xf32, #tpu.memory_space<vmem_shared>>)
        tpu.yield
      }) : () -> ()
    } else {
    }
    %barrier3A = arith.constant 0 : index
    tpu.barrier barrier_id(%barrier3A)
    %add3A_5 = arith.constant 0 : i32
    %add3A_6 = arith.addi %mul3A_2, %add3A_5 : i32
    %run_scoped3A = arith.constant 0 : i32
    "tpu.region"() ({
      %run_scoped3A_71 = tpu.sem_alloc : memref<!tpu.dma_semaphore, #tpu.memory_space<semaphore_mem>>
      %dma_start3A_72 = arith.constant 0 : i32
      %dma_start3A_73 = tpu.memref_slice %arg5[%run_scoped3A, %dma_start3A_72] : memref<3x96xi32, #tpu.memory_space<vmem>> -> memref<1x96xi32, #tpu.memory_space<vmem>>
      %dma_start3A_74 = tpu.memref_squeeze %dma_start3A_73 : memref<1x96xi32, #tpu.memory_space<vmem>> -> memref<96xi32, #tpu.memory_space<vmem>>
      %dma_start3A_75 = tpu.memref_slice %arg3[%add3A_6] : memref<9216xi32, #tpu.memory_space<hbm>> -> memref<96xi32, #tpu.memory_space<hbm>>
      %dma_start3A_76 = arith.constant 0 : i32
      %dma_start3A_77 = tpu.memref_slice %arg5[%run_scoped3A, %dma_start3A_76] : memref<3x96xi32, #tpu.memory_space<vmem>> -> memref<1x96xi32, #tpu.memory_space<vmem>>
      %dma_start3A_78 = tpu.memref_squeeze %dma_start3A_77 : memref<1x96xi32, #tpu.memory_space<vmem>> -> memref<96xi32, #tpu.memory_space<vmem>>
      %dma_start3A_79 = tpu.memref_slice %arg3[%add3A_6] : memref<9216xi32, #tpu.memory_space<hbm>> -> memref<96xi32, #tpu.memory_space<hbm>>
      tpu.enqueue_dma source(%dma_start3A_79 : memref<96xi32, #tpu.memory_space<hbm>>) target(%dma_start3A_78 : memref<96xi32, #tpu.memory_space<vmem>>) target_semaphore(%run_scoped3A_71 : memref<!tpu.dma_semaphore, #tpu.memory_space<semaphore_mem>>)
      %dma_wait3A_80 = arith.constant 0 : i32
      %dma_wait3A_81 = tpu.memref_slice %arg5[%run_scoped3A, %dma_wait3A_80] : memref<3x96xi32, #tpu.memory_space<vmem>> -> memref<1x96xi32, #tpu.memory_space<vmem>>
      %dma_wait3A_82 = tpu.memref_squeeze %dma_wait3A_81 : memref<1x96xi32, #tpu.memory_space<vmem>> -> memref<96xi32, #tpu.memory_space<vmem>>
      %dma_wait3A_83 = tpu.memref_slice %arg3[%add3A_6] : memref<9216xi32, #tpu.memory_space<hbm>> -> memref<96xi32, #tpu.memory_space<hbm>>
      %dma_wait3A_84 = arith.constant 0 : i32
      %dma_wait3A_85 = tpu.memref_slice %arg5[%run_scoped3A, %dma_wait3A_84] : memref<3x96xi32, #tpu.memory_space<vmem>> -> memref<1x96xi32, #tpu.memory_space<vmem>>
      %dma_wait3A_86 = tpu.memref_squeeze %dma_wait3A_85 : memref<1x96xi32, #tpu.memory_space<vmem>> -> memref<96xi32, #tpu.memory_space<vmem>>
      %dma_wait3A_87 = tpu.memref_slice %arg3[%add3A_6] : memref<9216xi32, #tpu.memory_space<hbm>> -> memref<96xi32, #tpu.memory_space<hbm>>
      tpu.wait_dma2 semaphore(%run_scoped3A_71 : memref<!tpu.dma_semaphore, #tpu.memory_space<semaphore_mem>>) src(%dma_wait3A_87 : memref<96xi32, #tpu.memory_space<hbm>>) dst(%dma_wait3A_86 : memref<96xi32, #tpu.memory_space<vmem>>)
      tpu.yield
    }) : () -> ()
    %add3A_7 = arith.constant 96 : i32
    %add3A_8 = arith.addi %mul3A_2, %add3A_7 : i32
    %run_scoped3A_9 = arith.constant 1 : i32
    "tpu.region"() ({
      %run_scoped3A_71 = tpu.sem_alloc : memref<!tpu.dma_semaphore, #tpu.memory_space<semaphore_mem>>
      %dma_start3A_72 = arith.constant 0 : i32
      %dma_start3A_73 = tpu.memref_slice %arg5[%run_scoped3A_9, %dma_start3A_72] : memref<3x96xi32, #tpu.memory_space<vmem>> -> memref<1x96xi32, #tpu.memory_space<vmem>>
      %dma_start3A_74 = tpu.memref_squeeze %dma_start3A_73 : memref<1x96xi32, #tpu.memory_space<vmem>> -> memref<96xi32, #tpu.memory_space<vmem>>
      %dma_start3A_75 = tpu.memref_slice %arg3[%add3A_8] : memref<9216xi32, #tpu.memory_space<hbm>> -> memref<96xi32, #tpu.memory_space<hbm>>
      %dma_start3A_76 = arith.constant 0 : i32
      %dma_start3A_77 = tpu.memref_slice %arg5[%run_scoped3A_9, %dma_start3A_76] : memref<3x96xi32, #tpu.memory_space<vmem>> -> memref<1x96xi32, #tpu.memory_space<vmem>>
      %dma_start3A_78 = tpu.memref_squeeze %dma_start3A_77 : memref<1x96xi32, #tpu.memory_space<vmem>> -> memref<96xi32, #tpu.memory_space<vmem>>
      %dma_start3A_79 = tpu.memref_slice %arg3[%add3A_8] : memref<9216xi32, #tpu.memory_space<hbm>> -> memref<96xi32, #tpu.memory_space<hbm>>
      tpu.enqueue_dma source(%dma_start3A_79 : memref<96xi32, #tpu.memory_space<hbm>>) target(%dma_start3A_78 : memref<96xi32, #tpu.memory_space<vmem>>) target_semaphore(%run_scoped3A_71 : memref<!tpu.dma_semaphore, #tpu.memory_space<semaphore_mem>>)
      %dma_wait3A_80 = arith.constant 0 : i32
      %dma_wait3A_81 = tpu.memref_slice %arg5[%run_scoped3A_9, %dma_wait3A_80] : memref<3x96xi32, #tpu.memory_space<vmem>> -> memref<1x96xi32, #tpu.memory_space<vmem>>
      %dma_wait3A_82 = tpu.memref_squeeze %dma_wait3A_81 : memref<1x96xi32, #tpu.memory_space<vmem>> -> memref<96xi32, #tpu.memory_space<vmem>>
      %dma_wait3A_83 = tpu.memref_slice %arg3[%add3A_8] : memref<9216xi32, #tpu.memory_space<hbm>> -> memref<96xi32, #tpu.memory_space<hbm>>
      %dma_wait3A_84 = arith.constant 0 : i32
      %dma_wait3A_85 = tpu.memref_slice %arg5[%run_scoped3A_9, %dma_wait3A_84] : memref<3x96xi32, #tpu.memory_space<vmem>> -> memref<1x96xi32, #tpu.memory_space<vmem>>
      %dma_wait3A_86 = tpu.memref_squeeze %dma_wait3A_85 : memref<1x96xi32, #tpu.memory_space<vmem>> -> memref<96xi32, #tpu.memory_space<vmem>>
      %dma_wait3A_87 = tpu.memref_slice %arg3[%add3A_8] : memref<9216xi32, #tpu.memory_space<hbm>> -> memref<96xi32, #tpu.memory_space<hbm>>
      tpu.wait_dma2 semaphore(%run_scoped3A_71 : memref<!tpu.dma_semaphore, #tpu.memory_space<semaphore_mem>>) src(%dma_wait3A_87 : memref<96xi32, #tpu.memory_space<hbm>>) dst(%dma_wait3A_86 : memref<96xi32, #tpu.memory_space<vmem>>)
      tpu.yield
    }) : () -> ()
    %add3A_10 = arith.constant 192 : i32
    %add3A_11 = arith.addi %mul3A_2, %add3A_10 : i32
    %run_scoped3A_12 = arith.constant 2 : i32
    "tpu.region"() ({
      %run_scoped3A_71 = tpu.sem_alloc : memref<!tpu.dma_semaphore, #tpu.memory_space<semaphore_mem>>
      %dma_start3A_72 = arith.constant 0 : i32
      %dma_start3A_73 = tpu.memref_slice %arg5[%run_scoped3A_12, %dma_start3A_72] : memref<3x96xi32, #tpu.memory_space<vmem>> -> memref<1x96xi32, #tpu.memory_space<vmem>>
      %dma_start3A_74 = tpu.memref_squeeze %dma_start3A_73 : memref<1x96xi32, #tpu.memory_space<vmem>> -> memref<96xi32, #tpu.memory_space<vmem>>
      %dma_start3A_75 = tpu.memref_slice %arg3[%add3A_11] : memref<9216xi32, #tpu.memory_space<hbm>> -> memref<96xi32, #tpu.memory_space<hbm>>
      %dma_start3A_76 = arith.constant 0 : i32
      %dma_start3A_77 = tpu.memref_slice %arg5[%run_scoped3A_12, %dma_start3A_76] : memref<3x96xi32, #tpu.memory_space<vmem>> -> memref<1x96xi32, #tpu.memory_space<vmem>>
      %dma_start3A_78 = tpu.memref_squeeze %dma_start3A_77 : memref<1x96xi32, #tpu.memory_space<vmem>> -> memref<96xi32, #tpu.memory_space<vmem>>
      %dma_start3A_79 = tpu.memref_slice %arg3[%add3A_11] : memref<9216xi32, #tpu.memory_space<hbm>> -> memref<96xi32, #tpu.memory_space<hbm>>
      tpu.enqueue_dma source(%dma_start3A_79 : memref<96xi32, #tpu.memory_space<hbm>>) target(%dma_start3A_78 : memref<96xi32, #tpu.memory_space<vmem>>) target_semaphore(%run_scoped3A_71 : memref<!tpu.dma_semaphore, #tpu.memory_space<semaphore_mem>>)
      %dma_wait3A_80 = arith.constant 0 : i32
      %dma_wait3A_81 = tpu.memref_slice %arg5[%run_scoped3A_12, %dma_wait3A_80] : memref<3x96xi32, #tpu.memory_space<vmem>> -> memref<1x96xi32, #tpu.memory_space<vmem>>
      %dma_wait3A_82 = tpu.memref_squeeze %dma_wait3A_81 : memref<1x96xi32, #tpu.memory_space<vmem>> -> memref<96xi32, #tpu.memory_space<vmem>>
      %dma_wait3A_83 = tpu.memref_slice %arg3[%add3A_11] : memref<9216xi32, #tpu.memory_space<hbm>> -> memref<96xi32, #tpu.memory_space<hbm>>
      %dma_wait3A_84 = arith.constant 0 : i32
      %dma_wait3A_85 = tpu.memref_slice %arg5[%run_scoped3A_12, %dma_wait3A_84] : memref<3x96xi32, #tpu.memory_space<vmem>> -> memref<1x96xi32, #tpu.memory_space<vmem>>
      %dma_wait3A_86 = tpu.memref_squeeze %dma_wait3A_85 : memref<1x96xi32, #tpu.memory_space<vmem>> -> memref<96xi32, #tpu.memory_space<vmem>>
      %dma_wait3A_87 = tpu.memref_slice %arg3[%add3A_11] : memref<9216xi32, #tpu.memory_space<hbm>> -> memref<96xi32, #tpu.memory_space<hbm>>
      tpu.wait_dma2 semaphore(%run_scoped3A_71 : memref<!tpu.dma_semaphore, #tpu.memory_space<semaphore_mem>>) src(%dma_wait3A_87 : memref<96xi32, #tpu.memory_space<hbm>>) dst(%dma_wait3A_86 : memref<96xi32, #tpu.memory_space<vmem>>)
      tpu.yield
    }) : () -> ()
    %dma_start3A = arith.constant 0 : i32
    %dma_start3A_13 = arith.constant 0 : i32
    %dma_start3A_14 = arith.constant 0 : i32
    %dma_start3A_15 = tpu.memref_slice %arg6[%dma_start3A_13, %dma_start3A_14] : memref<288x128xf32, #tpu.memory_space<vmem>> -> memref<96x128xf32, #tpu.memory_space<vmem>>
    %dma_start3A_16 = arith.constant 0 : i32
    %dma_start3A_17 = tpu.memref_slice %arg5[%dma_start3A, %dma_start3A_16] : memref<3x96xi32, #tpu.memory_space<vmem>> -> memref<1x96xi32, #tpu.memory_space<vmem>>
    %dma_start3A_18 = tpu.memref_squeeze %dma_start3A_17 : memref<1x96xi32, #tpu.memory_space<vmem>> -> memref<96xi32, #tpu.memory_space<vmem>>
    %dma_start3A_19 = arith.constant 0 : i32
    %dma_start3A_20 = arith.constant 0 : i32
    %dma_start3A_21 = tpu.memref_slice %arg7[%dma_start3A_19, %dma_start3A_20] : memref<8192x128xf32, #tpu.memory_space<vmem_shared>> -> memref<8192x128xf32, #tpu.memory_space<vmem_shared>>
    tpu.enqueue_indirect_dma source(%dma_start3A_21 : memref<8192x128xf32, #tpu.memory_space<vmem_shared>>) target(%dma_start3A_15 : memref<96x128xf32, #tpu.memory_space<vmem>>) offsets(%dma_start3A_18 : memref<96xi32, #tpu.memory_space<vmem>>) semaphore(%arg8 : memref<!tpu.dma_semaphore, #tpu.memory_space<semaphore_mem>>)
    %dma_start3A_22 = arith.constant 1 : i32
    %dma_start3A_23 = arith.constant 96 : i32
    %dma_start3A_24 = arith.constant 0 : i32
    %dma_start3A_25 = tpu.memref_slice %arg6[%dma_start3A_23, %dma_start3A_24] : memref<288x128xf32, #tpu.memory_space<vmem>> -> memref<96x128xf32, #tpu.memory_space<vmem>>
    %dma_start3A_26 = arith.constant 0 : i32
    %dma_start3A_27 = tpu.memref_slice %arg5[%dma_start3A_22, %dma_start3A_26] : memref<3x96xi32, #tpu.memory_space<vmem>> -> memref<1x96xi32, #tpu.memory_space<vmem>>
    %dma_start3A_28 = tpu.memref_squeeze %dma_start3A_27 : memref<1x96xi32, #tpu.memory_space<vmem>> -> memref<96xi32, #tpu.memory_space<vmem>>
    %dma_start3A_29 = arith.constant 0 : i32
    %dma_start3A_30 = arith.constant 0 : i32
    %dma_start3A_31 = tpu.memref_slice %arg7[%dma_start3A_29, %dma_start3A_30] : memref<8192x128xf32, #tpu.memory_space<vmem_shared>> -> memref<8192x128xf32, #tpu.memory_space<vmem_shared>>
    tpu.enqueue_indirect_dma source(%dma_start3A_31 : memref<8192x128xf32, #tpu.memory_space<vmem_shared>>) target(%dma_start3A_25 : memref<96x128xf32, #tpu.memory_space<vmem>>) offsets(%dma_start3A_28 : memref<96xi32, #tpu.memory_space<vmem>>) semaphore(%arg8 : memref<!tpu.dma_semaphore, #tpu.memory_space<semaphore_mem>>)
    %dma_start3A_32 = arith.constant 2 : i32
    %dma_start3A_33 = arith.constant 192 : i32
    %dma_start3A_34 = arith.constant 0 : i32
    %dma_start3A_35 = tpu.memref_slice %arg6[%dma_start3A_33, %dma_start3A_34] : memref<288x128xf32, #tpu.memory_space<vmem>> -> memref<96x128xf32, #tpu.memory_space<vmem>>
    %dma_start3A_36 = arith.constant 0 : i32
    %dma_start3A_37 = tpu.memref_slice %arg5[%dma_start3A_32, %dma_start3A_36] : memref<3x96xi32, #tpu.memory_space<vmem>> -> memref<1x96xi32, #tpu.memory_space<vmem>>
    %dma_start3A_38 = tpu.memref_squeeze %dma_start3A_37 : memref<1x96xi32, #tpu.memory_space<vmem>> -> memref<96xi32, #tpu.memory_space<vmem>>
    %dma_start3A_39 = arith.constant 0 : i32
    %dma_start3A_40 = arith.constant 0 : i32
    %dma_start3A_41 = tpu.memref_slice %arg7[%dma_start3A_39, %dma_start3A_40] : memref<8192x128xf32, #tpu.memory_space<vmem_shared>> -> memref<8192x128xf32, #tpu.memory_space<vmem_shared>>
    tpu.enqueue_indirect_dma source(%dma_start3A_41 : memref<8192x128xf32, #tpu.memory_space<vmem_shared>>) target(%dma_start3A_35 : memref<96x128xf32, #tpu.memory_space<vmem>>) offsets(%dma_start3A_38 : memref<96xi32, #tpu.memory_space<vmem>>) semaphore(%arg8 : memref<!tpu.dma_semaphore, #tpu.memory_space<semaphore_mem>>)
    %dma_wait3A = arith.constant 0 : i32
    %dma_wait3A_42 = arith.constant 0 : i32
    %dma_wait3A_43 = arith.constant 0 : i32
    %dma_wait3A_44 = tpu.memref_slice %arg6[%dma_wait3A_42, %dma_wait3A_43] : memref<288x128xf32, #tpu.memory_space<vmem>> -> memref<96x128xf32, #tpu.memory_space<vmem>>
    %dma_wait3A_45 = arith.constant 0 : i32
    %dma_wait3A_46 = tpu.memref_slice %arg5[%dma_wait3A, %dma_wait3A_45] : memref<3x96xi32, #tpu.memory_space<vmem>> -> memref<1x96xi32, #tpu.memory_space<vmem>>
    %dma_wait3A_47 = tpu.memref_squeeze %dma_wait3A_46 : memref<1x96xi32, #tpu.memory_space<vmem>> -> memref<96xi32, #tpu.memory_space<vmem>>
    %dma_wait3A_48 = arith.constant 0 : i32
    %dma_wait3A_49 = arith.constant 0 : i32
    %dma_wait3A_50 = tpu.memref_slice %arg7[%dma_wait3A_48, %dma_wait3A_49] : memref<8192x128xf32, #tpu.memory_space<vmem_shared>> -> memref<8192x128xf32, #tpu.memory_space<vmem_shared>>
    tpu.wait_indirect_dma semaphore(%arg8 : memref<!tpu.dma_semaphore, #tpu.memory_space<semaphore_mem>>) src(%dma_wait3A_50 : memref<8192x128xf32, #tpu.memory_space<vmem_shared>>) dst(%dma_wait3A_44 : memref<96x128xf32, #tpu.memory_space<vmem>>)
    %dma_wait3A_51 = arith.constant 1 : i32
    %dma_wait3A_52 = arith.constant 96 : i32
    %dma_wait3A_53 = arith.constant 0 : i32
    %dma_wait3A_54 = tpu.memref_slice %arg6[%dma_wait3A_52, %dma_wait3A_53] : memref<288x128xf32, #tpu.memory_space<vmem>> -> memref<96x128xf32, #tpu.memory_space<vmem>>
    %dma_wait3A_55 = arith.constant 0 : i32
    %dma_wait3A_56 = tpu.memref_slice %arg5[%dma_wait3A_51, %dma_wait3A_55] : memref<3x96xi32, #tpu.memory_space<vmem>> -> memref<1x96xi32, #tpu.memory_space<vmem>>
    %dma_wait3A_57 = tpu.memref_squeeze %dma_wait3A_56 : memref<1x96xi32, #tpu.memory_space<vmem>> -> memref<96xi32, #tpu.memory_space<vmem>>
    %dma_wait3A_58 = arith.constant 0 : i32
    %dma_wait3A_59 = arith.constant 0 : i32
    %dma_wait3A_60 = tpu.memref_slice %arg7[%dma_wait3A_58, %dma_wait3A_59] : memref<8192x128xf32, #tpu.memory_space<vmem_shared>> -> memref<8192x128xf32, #tpu.memory_space<vmem_shared>>
    tpu.wait_indirect_dma semaphore(%arg8 : memref<!tpu.dma_semaphore, #tpu.memory_space<semaphore_mem>>) src(%dma_wait3A_60 : memref<8192x128xf32, #tpu.memory_space<vmem_shared>>) dst(%dma_wait3A_54 : memref<96x128xf32, #tpu.memory_space<vmem>>)
    %dma_wait3A_61 = arith.constant 2 : i32
    %dma_wait3A_62 = arith.constant 192 : i32
    %dma_wait3A_63 = arith.constant 0 : i32
    %dma_wait3A_64 = tpu.memref_slice %arg6[%dma_wait3A_62, %dma_wait3A_63] : memref<288x128xf32, #tpu.memory_space<vmem>> -> memref<96x128xf32, #tpu.memory_space<vmem>>
    %dma_wait3A_65 = arith.constant 0 : i32
    %dma_wait3A_66 = tpu.memref_slice %arg5[%dma_wait3A_61, %dma_wait3A_65] : memref<3x96xi32, #tpu.memory_space<vmem>> -> memref<1x96xi32, #tpu.memory_space<vmem>>
    %dma_wait3A_67 = tpu.memref_squeeze %dma_wait3A_66 : memref<1x96xi32, #tpu.memory_space<vmem>> -> memref<96xi32, #tpu.memory_space<vmem>>
    %dma_wait3A_68 = arith.constant 0 : i32
    %dma_wait3A_69 = arith.constant 0 : i32
    %dma_wait3A_70 = tpu.memref_slice %arg7[%dma_wait3A_68, %dma_wait3A_69] : memref<8192x128xf32, #tpu.memory_space<vmem_shared>> -> memref<8192x128xf32, #tpu.memory_space<vmem_shared>>
    tpu.wait_indirect_dma semaphore(%arg8 : memref<!tpu.dma_semaphore, #tpu.memory_space<semaphore_mem>>) src(%dma_wait3A_70 : memref<8192x128xf32, #tpu.memory_space<vmem_shared>>) dst(%dma_wait3A_64 : memref<96x128xf32, #tpu.memory_space<vmem>>)
    "tpu.region"() ({
      %run_scoped3A_71 = tpu.sem_alloc : memref<!tpu.dma_semaphore, #tpu.memory_space<semaphore_mem>>
      %dma_start3A_72 = arith.constant 0 : i32
      %dma_start3A_73 = tpu.memref_slice %arg4[%mul3A_2, %dma_start3A_72] : memref<9216x128xf32, #tpu.memory_space<hbm>> -> memref<288x128xf32, #tpu.memory_space<hbm>>
      %dma_start3A_74 = arith.constant 0 : i32
      %dma_start3A_75 = tpu.memref_slice %arg4[%mul3A_2, %dma_start3A_74] : memref<9216x128xf32, #tpu.memory_space<hbm>> -> memref<288x128xf32, #tpu.memory_space<hbm>>
      tpu.enqueue_dma source(%arg6 : memref<288x128xf32, #tpu.memory_space<vmem>>) target(%dma_start3A_75 : memref<288x128xf32, #tpu.memory_space<hbm>>) target_semaphore(%run_scoped3A_71 : memref<!tpu.dma_semaphore, #tpu.memory_space<semaphore_mem>>)
      %dma_wait3A_76 = arith.constant 0 : i32
      %dma_wait3A_77 = tpu.memref_slice %arg4[%mul3A_2, %dma_wait3A_76] : memref<9216x128xf32, #tpu.memory_space<hbm>> -> memref<288x128xf32, #tpu.memory_space<hbm>>
      %dma_wait3A_78 = arith.constant 0 : i32
      %dma_wait3A_79 = tpu.memref_slice %arg4[%mul3A_2, %dma_wait3A_78] : memref<9216x128xf32, #tpu.memory_space<hbm>> -> memref<288x128xf32, #tpu.memory_space<hbm>>
      tpu.wait_dma2 semaphore(%run_scoped3A_71 : memref<!tpu.dma_semaphore, #tpu.memory_space<semaphore_mem>>) src(%arg6 : memref<288x128xf32, #tpu.memory_space<vmem>>) dst(%dma_wait3A_79 : memref<288x128xf32, #tpu.memory_space<hbm>>)
      tpu.yield
    }) : () -> ()
    return
  }
}

module attributes {stable_mosaic.version = 14 : i64} {
  func.func @_conv_layer_body(%arg0: i32, %arg1: memref<1x3x386x512xf32, #tpu.memory_space<vmem>>, %arg2: memref<16x27xf32, #tpu.memory_space<vmem>>, %arg3: memref<16x1xf32, #tpu.memory_space<vmem>>, %arg4: memref<1x16x194x256xf32, #tpu.memory_space<vmem>>) attributes {dimension_semantics = [#tpu.dimension_semantics<arbitrary>], iteration_bounds = array<i64: 4>, scalar_prefetch = 0 : i64, scratch_operands = 0 : i64, tpu.core_type = #tpu.core_type<tc>, window_params = [{transform_indices = @transform_0, window_bounds = array<i64: 1, 3, 386, 512>}, {pipeline_mode = #tpu.pipeline_mode<synchronous>, transform_indices = @transform_1, window_bounds = array<i64: 16, 27>}, {pipeline_mode = #tpu.pipeline_mode<synchronous>, transform_indices = @transform_2, window_bounds = array<i64: 16, 1>}, {transform_indices = @transform_3, window_bounds = array<i64: 1, 16, 194, 256>}]} {
    %get3A = arith.constant 0 : index
    %get3A_0 = arith.constant 0 : index
    %get3A_1 = arith.constant 0 : index
    %get3A_2 = arith.constant 0 : index
    %get3A_3 = vector.load %arg1[%get3A, %get3A_0, %get3A_1, %get3A_2] : memref<1x3x386x512xf32, #tpu.memory_space<vmem>>, vector<1x3x386x512xf32>
    %get3A_4 = vector.shape_cast %get3A_3 : vector<1x3x386x512xf32> to vector<3x386x512xf32>
    %reshape3A = vector.shape_cast %get3A_4 : vector<3x386x512xf32> to vector<3x193x2x512xf32>
    %slice3A = vector.extract_strided_slice %reshape3A {offsets = [0, 0, 0, 0], sizes = [3, 193, 1, 512], strides = [1, 1, 1, 1]} : vector<3x193x2x512xf32> to vector<3x193x1x512xf32>
    %squeeze3A = vector.shape_cast %slice3A : vector<3x193x1x512xf32> to vector<3x193x512xf32>
    %slice3A_5 = vector.extract_strided_slice %reshape3A {offsets = [0, 0, 1, 0], sizes = [3, 193, 1, 512], strides = [1, 1, 1, 1]} : vector<3x193x2x512xf32> to vector<3x193x1x512xf32>
    %squeeze3A_6 = vector.shape_cast %slice3A_5 : vector<3x193x1x512xf32> to vector<3x193x512xf32>
    %slice3A_7 = vector.extract_strided_slice %squeeze3A {offsets = [0, 0, 0], sizes = [3, 192, 512], strides = [1, 1, 1]} : vector<3x193x512xf32> to vector<3x192x512xf32>
    %slice3A_8 = vector.extract_strided_slice %squeeze3A_6 {offsets = [0, 0, 0], sizes = [3, 192, 512], strides = [1, 1, 1]} : vector<3x193x512xf32> to vector<3x192x512xf32>
    %slice3A_9 = vector.extract_strided_slice %squeeze3A {offsets = [0, 1, 0], sizes = [3, 192, 512], strides = [1, 1, 1]} : vector<3x193x512xf32> to vector<3x192x512xf32>
    %iota3A = tpu.iota {dimensions = array<i32: 0>} : vector<512x768xi32>
    %iota3A_10 = tpu.iota {dimensions = array<i32: 1>} : vector<512x768xi32>
    %jit3A = arith.constant 256 : i32
    %div3A = vector.broadcast %jit3A : i32 to vector<512x768xi32>
    %div3A_11 = arith.divsi %iota3A_10, %div3A : vector<512x768xi32>
    %sign3A = arith.constant 0 : i32
    %sign3A_12 = vector.broadcast %sign3A : i32 to vector<512x768xi32>
    %sign3A_13 = arith.cmpi sgt, %iota3A_10, %sign3A_12 : vector<512x768xi32>
    %sign3A_14 = arith.extui %sign3A_13 : vector<512x768xi1> to vector<512x768xi32>
    %sign3A_15 = arith.constant 0 : i32
    %sign3A_16 = vector.broadcast %sign3A_15 : i32 to vector<512x768xi32>
    %sign3A_17 = arith.cmpi slt, %iota3A_10, %sign3A_16 : vector<512x768xi32>
    %sign3A_18 = arith.extui %sign3A_17 : vector<512x768xi1> to vector<512x768xi32>
    %sign3A_19 = arith.subi %sign3A_14, %sign3A_18 : vector<512x768xi32>
    %sign3A_20 = arith.constant 0 : i32
    %sign3A_21 = arith.cmpi sgt, %jit3A, %sign3A_20 : i32
    %sign3A_22 = arith.extui %sign3A_21 : i1 to i32
    %sign3A_23 = arith.constant 0 : i32
    %sign3A_24 = arith.cmpi slt, %jit3A, %sign3A_23 : i32
    %sign3A_25 = arith.extui %sign3A_24 : i1 to i32
    %sign3A_26 = arith.subi %sign3A_22, %sign3A_25 : i32
    %ne3A = vector.broadcast %sign3A_26 : i32 to vector<512x768xi32>
    %ne3A_27 = arith.cmpi ne, %sign3A_19, %ne3A : vector<512x768xi32>
    %rem3A = vector.broadcast %jit3A : i32 to vector<512x768xi32>
    %rem3A_28 = arith.remsi %iota3A_10, %rem3A : vector<512x768xi32>
    %ne3A_29 = arith.constant 0 : i32
    %ne3A_30 = vector.broadcast %ne3A_29 : i32 to vector<512x768xi32>
    %ne3A_31 = arith.cmpi ne, %rem3A_28, %ne3A_30 : vector<512x768xi32>
    %and3A = arith.andi %ne3A_27, %ne3A_31 : vector<512x768xi1>
    %sub3A = arith.constant 1 : i32
    %sub3A_32 = vector.broadcast %sub3A : i32 to vector<512x768xi32>
    %sub3A_33 = arith.subi %div3A_11, %sub3A_32 : vector<512x768xi32>
    %select_n3A = arith.select %and3A, %sub3A_33, %div3A_11 : vector<512x768xi1>, vector<512x768xi32>
    %jit3A_34 = arith.constant 256 : i32
    %eq3A = arith.constant 0 : i32
    %eq3A_35 = arith.cmpi eq, %jit3A_34, %eq3A : i32
    %jit3A_36 = arith.constant 1 : i32
    %select_n3A_37 = arith.select %eq3A_35, %jit3A_36, %jit3A_34 : i32
    %rem3A_38 = vector.broadcast %select_n3A_37 : i32 to vector<512x768xi32>
    %rem3A_39 = arith.remsi %iota3A_10, %rem3A_38 : vector<512x768xi32>
    %ne3A_40 = arith.constant 0 : i32
    %ne3A_41 = vector.broadcast %ne3A_40 : i32 to vector<512x768xi32>
    %ne3A_42 = arith.cmpi ne, %rem3A_39, %ne3A_41 : vector<512x768xi32>
    %lt3A = arith.constant 0 : i32
    %lt3A_43 = vector.broadcast %lt3A : i32 to vector<512x768xi32>
    %lt3A_44 = arith.cmpi slt, %rem3A_39, %lt3A_43 : vector<512x768xi32>
    %lt3A_45 = arith.constant 0 : i32
    %lt3A_46 = arith.cmpi slt, %select_n3A_37, %lt3A_45 : i32
    %ne3A_47 = vector.broadcast %lt3A_46 : i1 to vector<512x768xi1>
    %ne3A_48 = vector.broadcast %ne3A_47 : vector<512x768xi1> to vector<512x768xi1>
    %ne3A_49 = arith.xori %lt3A_44, %ne3A_48 : vector<512x768xi1>
    %and3A_50 = arith.andi %ne3A_49, %ne3A_42 : vector<512x768xi1>
    %add3A = vector.broadcast %select_n3A_37 : i32 to vector<512x768xi32>
    %add3A_51 = arith.addi %rem3A_39, %add3A : vector<512x768xi32>
    %select_n3A_52 = arith.select %and3A_50, %add3A_51, %rem3A_39 : vector<512x768xi1>, vector<512x768xi32>
    %mul3A = arith.constant 2 : i32
    %mul3A_53 = vector.broadcast %mul3A : i32 to vector<512x768xi32>
    %mul3A_54 = arith.muli %mul3A_53, %select_n3A_52 : vector<512x768xi32>
    %add3A_55 = arith.addi %mul3A_54, %select_n3A : vector<512x768xi32>
    %eq3A_56 = arith.cmpi eq, %iota3A, %add3A_55 : vector<512x768xi32>
    %lt3A_57 = arith.constant 192 : i32
    %lt3A_58 = vector.broadcast %lt3A_57 : i32 to vector<512x768xi32>
    %lt3A_59 = arith.cmpi slt, %select_n3A_52, %lt3A_58 : vector<512x768xi32>
    %and3A_60 = arith.andi %eq3A_56, %lt3A_59 : vector<512x768xi1>
    %convert_element_type3A = arith.extui %and3A_60 : vector<512x768xi1> to vector<512x768xi32>
    %convert_element_type3A_61 = arith.sitofp %convert_element_type3A : vector<512x768xi32> to vector<512x768xf32>
    %convert_element_type3A_62 = arith.truncf %convert_element_type3A_61 : vector<512x768xf32> to vector<512x768xbf16>
    %reshape3A_63 = vector.shape_cast %slice3A_7 : vector<3x192x512xf32> to vector<576x512xf32>
    %convert_element_type3A_64 = arith.truncf %reshape3A_63 : vector<576x512xf32> to vector<576x512xbf16>
    %dot_general3A = arith.constant dense<0.000000e+00> : vector<576x768xf32>
    %dot_general3A_65 = tpu.matmul %convert_element_type3A_64, %convert_element_type3A_62, %dot_general3A {dimension_numbers = #tpu.dot_dimension_numbers<[1], [0], [0], [1], [0, 0, 1, 1], [], []>, transpose_lhs_hint = false} : vector<576x512xbf16>, vector<512x768xbf16>, vector<576x768xf32> -> vector<576x768xf32>
    %slice3A_66 = vector.extract_strided_slice %dot_general3A_65 {offsets = [0, 0], sizes = [576, 256], strides = [1, 1]} : vector<576x768xf32> to vector<576x256xf32>
    %reshape3A_67 = vector.shape_cast %slice3A_66 : vector<576x256xf32> to vector<3x192x256xf32>
    %slice3A_68 = vector.extract_strided_slice %dot_general3A_65 {offsets = [0, 256], sizes = [576, 256], strides = [1, 1]} : vector<576x768xf32> to vector<576x256xf32>
    %reshape3A_69 = vector.shape_cast %slice3A_68 : vector<576x256xf32> to vector<3x192x256xf32>
    %slice3A_70 = vector.extract_strided_slice %dot_general3A_65 {offsets = [0, 512], sizes = [576, 256], strides = [1, 1]} : vector<576x768xf32> to vector<576x256xf32>
    %reshape3A_71 = vector.shape_cast %slice3A_70 : vector<576x256xf32> to vector<3x192x256xf32>
    %reshape3A_72 = vector.shape_cast %slice3A_8 : vector<3x192x512xf32> to vector<576x512xf32>
    %convert_element_type3A_73 = arith.truncf %reshape3A_72 : vector<576x512xf32> to vector<576x512xbf16>
    %dot_general3A_74 = arith.constant dense<0.000000e+00> : vector<576x768xf32>
    %dot_general3A_75 = tpu.matmul %convert_element_type3A_73, %convert_element_type3A_62, %dot_general3A_74 {dimension_numbers = #tpu.dot_dimension_numbers<[1], [0], [0], [1], [0, 0, 1, 1], [], []>, transpose_lhs_hint = false} : vector<576x512xbf16>, vector<512x768xbf16>, vector<576x768xf32> -> vector<576x768xf32>
    %slice3A_76 = vector.extract_strided_slice %dot_general3A_75 {offsets = [0, 0], sizes = [576, 256], strides = [1, 1]} : vector<576x768xf32> to vector<576x256xf32>
    %reshape3A_77 = vector.shape_cast %slice3A_76 : vector<576x256xf32> to vector<3x192x256xf32>
    %slice3A_78 = vector.extract_strided_slice %dot_general3A_75 {offsets = [0, 256], sizes = [576, 256], strides = [1, 1]} : vector<576x768xf32> to vector<576x256xf32>
    %reshape3A_79 = vector.shape_cast %slice3A_78 : vector<576x256xf32> to vector<3x192x256xf32>
    %slice3A_80 = vector.extract_strided_slice %dot_general3A_75 {offsets = [0, 512], sizes = [576, 256], strides = [1, 1]} : vector<576x768xf32> to vector<576x256xf32>
    %reshape3A_81 = vector.shape_cast %slice3A_80 : vector<576x256xf32> to vector<3x192x256xf32>
    %reshape3A_82 = vector.shape_cast %slice3A_9 : vector<3x192x512xf32> to vector<576x512xf32>
    %convert_element_type3A_83 = arith.truncf %reshape3A_82 : vector<576x512xf32> to vector<576x512xbf16>
    %dot_general3A_84 = arith.constant dense<0.000000e+00> : vector<576x768xf32>
    %dot_general3A_85 = tpu.matmul %convert_element_type3A_83, %convert_element_type3A_62, %dot_general3A_84 {dimension_numbers = #tpu.dot_dimension_numbers<[1], [0], [0], [1], [0, 0, 1, 1], [], []>, transpose_lhs_hint = false} : vector<576x512xbf16>, vector<512x768xbf16>, vector<576x768xf32> -> vector<576x768xf32>
    %slice3A_86 = vector.extract_strided_slice %dot_general3A_85 {offsets = [0, 0], sizes = [576, 256], strides = [1, 1]} : vector<576x768xf32> to vector<576x256xf32>
    %reshape3A_87 = vector.shape_cast %slice3A_86 : vector<576x256xf32> to vector<3x192x256xf32>
    %slice3A_88 = vector.extract_strided_slice %dot_general3A_85 {offsets = [0, 256], sizes = [576, 256], strides = [1, 1]} : vector<576x768xf32> to vector<576x256xf32>
    %reshape3A_89 = vector.shape_cast %slice3A_88 : vector<576x256xf32> to vector<3x192x256xf32>
    %slice3A_90 = vector.extract_strided_slice %dot_general3A_85 {offsets = [0, 512], sizes = [576, 256], strides = [1, 1]} : vector<576x768xf32> to vector<576x256xf32>
    %reshape3A_91 = vector.shape_cast %slice3A_90 : vector<576x256xf32> to vector<3x192x256xf32>
    %concatenate3A = tpu.concatenate %reshape3A_67, %reshape3A_69, %reshape3A_71, %reshape3A_77, %reshape3A_79, %reshape3A_81, %reshape3A_87, %reshape3A_89, %reshape3A_91 in 0 : vector<3x192x256xf32>, vector<3x192x256xf32>, vector<3x192x256xf32>, vector<3x192x256xf32>, vector<3x192x256xf32>, vector<3x192x256xf32>, vector<3x192x256xf32>, vector<3x192x256xf32>, vector<3x192x256xf32> -> vector<27x192x256xf32>
    %reshape3A_92 = vector.shape_cast %concatenate3A : vector<27x192x256xf32> to vector<27x49152xf32>
    %get3A_93 = arith.constant 0 : index
    %get3A_94 = arith.constant 0 : index
    %get3A_95 = vector.load %arg2[%get3A_93, %get3A_94] : memref<16x27xf32, #tpu.memory_space<vmem>>, vector<16x27xf32>
    %convert_element_type3A_96 = arith.truncf %get3A_95 : vector<16x27xf32> to vector<16x27xbf16>
    %convert_element_type3A_97 = arith.truncf %reshape3A_92 : vector<27x49152xf32> to vector<27x49152xbf16>
    %dot_general3A_98 = arith.constant dense<0.000000e+00> : vector<16x49152xf32>
    %dot_general3A_99 = tpu.matmul %convert_element_type3A_96, %convert_element_type3A_97, %dot_general3A_98 {dimension_numbers = #tpu.dot_dimension_numbers<[1], [0], [0], [1], [0, 0, 1, 1], [], []>, transpose_lhs_hint = false} : vector<16x27xbf16>, vector<27x49152xbf16>, vector<16x49152xf32> -> vector<16x49152xf32>
    %get3A_100 = arith.constant 0 : index
    %get3A_101 = arith.constant 0 : index
    %get3A_102 = vector.load %arg3[%get3A_100, %get3A_101] : memref<16x1xf32, #tpu.memory_space<vmem>>, vector<16x1xf32>
    %add3A_103 = vector.broadcast %get3A_102 : vector<16x1xf32> to vector<16x49152xf32>
    %add3A_104 = arith.addf %dot_general3A_99, %add3A_103 : vector<16x49152xf32>
    %max3A = arith.constant 0.000000e+00 : f32
    %max3A_105 = vector.broadcast %max3A : f32 to vector<16x49152xf32>
    %max3A_106 = arith.maximumf %add3A_104, %max3A_105 : vector<16x49152xf32>
    %reshape3A_107 = vector.shape_cast %max3A_106 : vector<16x49152xf32> to vector<16x192x256xf32>
    %broadcast_in_dim3A = arith.constant 0.000000e+00 : f32
    %broadcast_in_dim3A_108 = vector.broadcast %broadcast_in_dim3A : f32 to vector<16x194x256xf32>
    %swap3A = arith.constant 0 : index
    %swap3A_109 = arith.constant 0 : index
    %swap3A_110 = arith.constant 0 : index
    %swap3A_111 = arith.constant 0 : index
    %swap3A_112 = vector.load %arg4[%swap3A, %swap3A_109, %swap3A_110, %swap3A_111] : memref<1x16x194x256xf32, #tpu.memory_space<vmem>>, vector<1x16x194x256xf32>
    %swap3A_113 = vector.shape_cast %swap3A_112 : vector<1x16x194x256xf32> to vector<16x194x256xf32>
    %swap3A_114 = vector.shape_cast %broadcast_in_dim3A_108 : vector<16x194x256xf32> to vector<1x16x194x256xf32>
    tpu.vector_store %arg4[%swap3A, %swap3A_109, %swap3A_110, %swap3A_111], %swap3A_114 {strides = array<i32>} : memref<1x16x194x256xf32, #tpu.memory_space<vmem>>, vector<1x16x194x256xf32>,
    %slice3A_115 = vector.extract_strided_slice %reshape3A_107 {offsets = [0, 0, 0], sizes = [16, 192, 192], strides = [1, 1, 1]} : vector<16x192x256xf32> to vector<16x192x192xf32>
    %swap3A_116 = arith.constant 0 : index
    %swap3A_117 = arith.constant 0 : index
    %swap3A_118 = arith.constant 1 : index
    %swap3A_119 = arith.constant 1 : index
    %swap3A_120 = vector.load %arg4[%swap3A_116, %swap3A_117, %swap3A_118, %swap3A_119] : memref<1x16x194x256xf32, #tpu.memory_space<vmem>>, vector<1x16x192x192xf32>
    %swap3A_121 = vector.shape_cast %swap3A_120 : vector<1x16x192x192xf32> to vector<16x192x192xf32>
    %swap3A_122 = vector.shape_cast %slice3A_115 : vector<16x192x192xf32> to vector<1x16x192x192xf32>
    tpu.vector_store %arg4[%swap3A_116, %swap3A_117, %swap3A_118, %swap3A_119], %swap3A_122 {strides = array<i32>} : memref<1x16x194x256xf32, #tpu.memory_space<vmem>>, vector<1x16x192x192xf32>,
    return
  }
  func.func @transform_0(%arg0: i32) -> (i32, i32, i32, i32) {
    %c0_i32 = arith.constant 0 : i32
    %c0_i32_0 = arith.constant 0 : i32
    %c0_i32_1 = arith.constant 0 : i32
    %c0_i32_2 = arith.constant 0 : i32
    return %arg0, %c0_i32, %c0_i32_0, %c0_i32_1 : i32, i32, i32, i32
  }
  func.func @transform_1(%arg0: i32) -> (i32, i32) {
    %c0_i32 = arith.constant 0 : i32
    %c0_i32_0 = arith.constant 0 : i32
    %c0_i32_1 = arith.constant 0 : i32
    return %c0_i32, %c0_i32_0 : i32, i32
  }
  func.func @transform_2(%arg0: i32) -> (i32, i32) {
    %c0_i32 = arith.constant 0 : i32
    %c0_i32_0 = arith.constant 0 : i32
    %c0_i32_1 = arith.constant 0 : i32
    return %c0_i32, %c0_i32_0 : i32, i32
  }
  func.func @transform_3(%arg0: i32) -> (i32, i32, i32, i32) {
    %c0_i32 = arith.constant 0 : i32
    %c0_i32_0 = arith.constant 0 : i32
    %c0_i32_1 = arith.constant 0 : i32
    %c0_i32_2 = arith.constant 0 : i32
    return %arg0, %c0_i32, %c0_i32_0, %c0_i32_1 : i32, i32, i32, i32
  }
}

module attributes {stable_mosaic.version = 14 : i64} {
  func.func @_conv_layer_body(%arg0: i32, %arg1: memref<1x16x194x256xf32, #tpu.memory_space<vmem>>, %arg2: memref<32x144xf32, #tpu.memory_space<vmem>>, %arg3: memref<32x1xf32, #tpu.memory_space<vmem>>, %arg4: memref<1x32x98x128xf32, #tpu.memory_space<vmem>>) attributes {dimension_semantics = [#tpu.dimension_semantics<arbitrary>], iteration_bounds = array<i64: 4>, scalar_prefetch = 0 : i64, scratch_operands = 0 : i64, tpu.core_type = #tpu.core_type<tc>, window_params = [{transform_indices = @transform_0, window_bounds = array<i64: 1, 16, 194, 256>}, {pipeline_mode = #tpu.pipeline_mode<synchronous>, transform_indices = @transform_1, window_bounds = array<i64: 32, 144>}, {pipeline_mode = #tpu.pipeline_mode<synchronous>, transform_indices = @transform_2, window_bounds = array<i64: 32, 1>}, {transform_indices = @transform_3, window_bounds = array<i64: 1, 32, 98, 128>}]} {
    %get3A = arith.constant 0 : index
    %get3A_0 = arith.constant 0 : index
    %get3A_1 = arith.constant 0 : index
    %get3A_2 = arith.constant 0 : index
    %get3A_3 = vector.load %arg1[%get3A, %get3A_0, %get3A_1, %get3A_2] : memref<1x16x194x256xf32, #tpu.memory_space<vmem>>, vector<1x16x194x256xf32>
    %get3A_4 = vector.shape_cast %get3A_3 : vector<1x16x194x256xf32> to vector<16x194x256xf32>
    %reshape3A = vector.shape_cast %get3A_4 : vector<16x194x256xf32> to vector<16x97x2x256xf32>
    %slice3A = vector.extract_strided_slice %reshape3A {offsets = [0, 0, 0, 0], sizes = [16, 97, 1, 256], strides = [1, 1, 1, 1]} : vector<16x97x2x256xf32> to vector<16x97x1x256xf32>
    %squeeze3A = vector.shape_cast %slice3A : vector<16x97x1x256xf32> to vector<16x97x256xf32>
    %slice3A_5 = vector.extract_strided_slice %reshape3A {offsets = [0, 0, 1, 0], sizes = [16, 97, 1, 256], strides = [1, 1, 1, 1]} : vector<16x97x2x256xf32> to vector<16x97x1x256xf32>
    %squeeze3A_6 = vector.shape_cast %slice3A_5 : vector<16x97x1x256xf32> to vector<16x97x256xf32>
    %slice3A_7 = vector.extract_strided_slice %squeeze3A {offsets = [0, 0, 0], sizes = [16, 96, 256], strides = [1, 1, 1]} : vector<16x97x256xf32> to vector<16x96x256xf32>
    %slice3A_8 = vector.extract_strided_slice %squeeze3A_6 {offsets = [0, 0, 0], sizes = [16, 96, 256], strides = [1, 1, 1]} : vector<16x97x256xf32> to vector<16x96x256xf32>
    %slice3A_9 = vector.extract_strided_slice %squeeze3A {offsets = [0, 1, 0], sizes = [16, 96, 256], strides = [1, 1, 1]} : vector<16x97x256xf32> to vector<16x96x256xf32>
    %iota3A = tpu.iota {dimensions = array<i32: 0>} : vector<256x384xi32>
    %iota3A_10 = tpu.iota {dimensions = array<i32: 1>} : vector<256x384xi32>
    %jit3A = arith.constant 128 : i32
    %div3A = vector.broadcast %jit3A : i32 to vector<256x384xi32>
    %div3A_11 = arith.divsi %iota3A_10, %div3A : vector<256x384xi32>
    %sign3A = arith.constant 0 : i32
    %sign3A_12 = vector.broadcast %sign3A : i32 to vector<256x384xi32>
    %sign3A_13 = arith.cmpi sgt, %iota3A_10, %sign3A_12 : vector<256x384xi32>
    %sign3A_14 = arith.extui %sign3A_13 : vector<256x384xi1> to vector<256x384xi32>
    %sign3A_15 = arith.constant 0 : i32
    %sign3A_16 = vector.broadcast %sign3A_15 : i32 to vector<256x384xi32>
    %sign3A_17 = arith.cmpi slt, %iota3A_10, %sign3A_16 : vector<256x384xi32>
    %sign3A_18 = arith.extui %sign3A_17 : vector<256x384xi1> to vector<256x384xi32>
    %sign3A_19 = arith.subi %sign3A_14, %sign3A_18 : vector<256x384xi32>
    %sign3A_20 = arith.constant 0 : i32
    %sign3A_21 = arith.cmpi sgt, %jit3A, %sign3A_20 : i32
    %sign3A_22 = arith.extui %sign3A_21 : i1 to i32
    %sign3A_23 = arith.constant 0 : i32
    %sign3A_24 = arith.cmpi slt, %jit3A, %sign3A_23 : i32
    %sign3A_25 = arith.extui %sign3A_24 : i1 to i32
    %sign3A_26 = arith.subi %sign3A_22, %sign3A_25 : i32
    %ne3A = vector.broadcast %sign3A_26 : i32 to vector<256x384xi32>
    %ne3A_27 = arith.cmpi ne, %sign3A_19, %ne3A : vector<256x384xi32>
    %rem3A = vector.broadcast %jit3A : i32 to vector<256x384xi32>
    %rem3A_28 = arith.remsi %iota3A_10, %rem3A : vector<256x384xi32>
    %ne3A_29 = arith.constant 0 : i32
    %ne3A_30 = vector.broadcast %ne3A_29 : i32 to vector<256x384xi32>
    %ne3A_31 = arith.cmpi ne, %rem3A_28, %ne3A_30 : vector<256x384xi32>
    %and3A = arith.andi %ne3A_27, %ne3A_31 : vector<256x384xi1>
    %sub3A = arith.constant 1 : i32
    %sub3A_32 = vector.broadcast %sub3A : i32 to vector<256x384xi32>
    %sub3A_33 = arith.subi %div3A_11, %sub3A_32 : vector<256x384xi32>
    %select_n3A = arith.select %and3A, %sub3A_33, %div3A_11 : vector<256x384xi1>, vector<256x384xi32>
    %jit3A_34 = arith.constant 128 : i32
    %eq3A = arith.constant 0 : i32
    %eq3A_35 = arith.cmpi eq, %jit3A_34, %eq3A : i32
    %jit3A_36 = arith.constant 1 : i32
    %select_n3A_37 = arith.select %eq3A_35, %jit3A_36, %jit3A_34 : i32
    %rem3A_38 = vector.broadcast %select_n3A_37 : i32 to vector<256x384xi32>
    %rem3A_39 = arith.remsi %iota3A_10, %rem3A_38 : vector<256x384xi32>
    %ne3A_40 = arith.constant 0 : i32
    %ne3A_41 = vector.broadcast %ne3A_40 : i32 to vector<256x384xi32>
    %ne3A_42 = arith.cmpi ne, %rem3A_39, %ne3A_41 : vector<256x384xi32>
    %lt3A = arith.constant 0 : i32
    %lt3A_43 = vector.broadcast %lt3A : i32 to vector<256x384xi32>
    %lt3A_44 = arith.cmpi slt, %rem3A_39, %lt3A_43 : vector<256x384xi32>
    %lt3A_45 = arith.constant 0 : i32
    %lt3A_46 = arith.cmpi slt, %select_n3A_37, %lt3A_45 : i32
    %ne3A_47 = vector.broadcast %lt3A_46 : i1 to vector<256x384xi1>
    %ne3A_48 = vector.broadcast %ne3A_47 : vector<256x384xi1> to vector<256x384xi1>
    %ne3A_49 = arith.xori %lt3A_44, %ne3A_48 : vector<256x384xi1>
    %and3A_50 = arith.andi %ne3A_49, %ne3A_42 : vector<256x384xi1>
    %add3A = vector.broadcast %select_n3A_37 : i32 to vector<256x384xi32>
    %add3A_51 = arith.addi %rem3A_39, %add3A : vector<256x384xi32>
    %select_n3A_52 = arith.select %and3A_50, %add3A_51, %rem3A_39 : vector<256x384xi1>, vector<256x384xi32>
    %mul3A = arith.constant 2 : i32
    %mul3A_53 = vector.broadcast %mul3A : i32 to vector<256x384xi32>
    %mul3A_54 = arith.muli %mul3A_53, %select_n3A_52 : vector<256x384xi32>
    %add3A_55 = arith.addi %mul3A_54, %select_n3A : vector<256x384xi32>
    %eq3A_56 = arith.cmpi eq, %iota3A, %add3A_55 : vector<256x384xi32>
    %lt3A_57 = arith.constant 96 : i32
    %lt3A_58 = vector.broadcast %lt3A_57 : i32 to vector<256x384xi32>
    %lt3A_59 = arith.cmpi slt, %select_n3A_52, %lt3A_58 : vector<256x384xi32>
    %and3A_60 = arith.andi %eq3A_56, %lt3A_59 : vector<256x384xi1>
    %convert_element_type3A = arith.extui %and3A_60 : vector<256x384xi1> to vector<256x384xi32>
    %convert_element_type3A_61 = arith.sitofp %convert_element_type3A : vector<256x384xi32> to vector<256x384xf32>
    %convert_element_type3A_62 = arith.truncf %convert_element_type3A_61 : vector<256x384xf32> to vector<256x384xbf16>
    %reshape3A_63 = vector.shape_cast %slice3A_7 : vector<16x96x256xf32> to vector<1536x256xf32>
    %convert_element_type3A_64 = arith.truncf %reshape3A_63 : vector<1536x256xf32> to vector<1536x256xbf16>
    %dot_general3A = arith.constant dense<0.000000e+00> : vector<1536x384xf32>
    %dot_general3A_65 = tpu.matmul %convert_element_type3A_64, %convert_element_type3A_62, %dot_general3A {dimension_numbers = #tpu.dot_dimension_numbers<[1], [0], [0], [1], [0, 0, 1, 1], [], []>, transpose_lhs_hint = false} : vector<1536x256xbf16>, vector<256x384xbf16>, vector<1536x384xf32> -> vector<1536x384xf32>
    %slice3A_66 = vector.extract_strided_slice %dot_general3A_65 {offsets = [0, 0], sizes = [1536, 128], strides = [1, 1]} : vector<1536x384xf32> to vector<1536x128xf32>
    %reshape3A_67 = vector.shape_cast %slice3A_66 : vector<1536x128xf32> to vector<16x96x128xf32>
    %slice3A_68 = vector.extract_strided_slice %dot_general3A_65 {offsets = [0, 128], sizes = [1536, 128], strides = [1, 1]} : vector<1536x384xf32> to vector<1536x128xf32>
    %reshape3A_69 = vector.shape_cast %slice3A_68 : vector<1536x128xf32> to vector<16x96x128xf32>
    %slice3A_70 = vector.extract_strided_slice %dot_general3A_65 {offsets = [0, 256], sizes = [1536, 128], strides = [1, 1]} : vector<1536x384xf32> to vector<1536x128xf32>
    %reshape3A_71 = vector.shape_cast %slice3A_70 : vector<1536x128xf32> to vector<16x96x128xf32>
    %reshape3A_72 = vector.shape_cast %slice3A_8 : vector<16x96x256xf32> to vector<1536x256xf32>
    %convert_element_type3A_73 = arith.truncf %reshape3A_72 : vector<1536x256xf32> to vector<1536x256xbf16>
    %dot_general3A_74 = arith.constant dense<0.000000e+00> : vector<1536x384xf32>
    %dot_general3A_75 = tpu.matmul %convert_element_type3A_73, %convert_element_type3A_62, %dot_general3A_74 {dimension_numbers = #tpu.dot_dimension_numbers<[1], [0], [0], [1], [0, 0, 1, 1], [], []>, transpose_lhs_hint = false} : vector<1536x256xbf16>, vector<256x384xbf16>, vector<1536x384xf32> -> vector<1536x384xf32>
    %slice3A_76 = vector.extract_strided_slice %dot_general3A_75 {offsets = [0, 0], sizes = [1536, 128], strides = [1, 1]} : vector<1536x384xf32> to vector<1536x128xf32>
    %reshape3A_77 = vector.shape_cast %slice3A_76 : vector<1536x128xf32> to vector<16x96x128xf32>
    %slice3A_78 = vector.extract_strided_slice %dot_general3A_75 {offsets = [0, 128], sizes = [1536, 128], strides = [1, 1]} : vector<1536x384xf32> to vector<1536x128xf32>
    %reshape3A_79 = vector.shape_cast %slice3A_78 : vector<1536x128xf32> to vector<16x96x128xf32>
    %slice3A_80 = vector.extract_strided_slice %dot_general3A_75 {offsets = [0, 256], sizes = [1536, 128], strides = [1, 1]} : vector<1536x384xf32> to vector<1536x128xf32>
    %reshape3A_81 = vector.shape_cast %slice3A_80 : vector<1536x128xf32> to vector<16x96x128xf32>
    %reshape3A_82 = vector.shape_cast %slice3A_9 : vector<16x96x256xf32> to vector<1536x256xf32>
    %convert_element_type3A_83 = arith.truncf %reshape3A_82 : vector<1536x256xf32> to vector<1536x256xbf16>
    %dot_general3A_84 = arith.constant dense<0.000000e+00> : vector<1536x384xf32>
    %dot_general3A_85 = tpu.matmul %convert_element_type3A_83, %convert_element_type3A_62, %dot_general3A_84 {dimension_numbers = #tpu.dot_dimension_numbers<[1], [0], [0], [1], [0, 0, 1, 1], [], []>, transpose_lhs_hint = false} : vector<1536x256xbf16>, vector<256x384xbf16>, vector<1536x384xf32> -> vector<1536x384xf32>
    %slice3A_86 = vector.extract_strided_slice %dot_general3A_85 {offsets = [0, 0], sizes = [1536, 128], strides = [1, 1]} : vector<1536x384xf32> to vector<1536x128xf32>
    %reshape3A_87 = vector.shape_cast %slice3A_86 : vector<1536x128xf32> to vector<16x96x128xf32>
    %slice3A_88 = vector.extract_strided_slice %dot_general3A_85 {offsets = [0, 128], sizes = [1536, 128], strides = [1, 1]} : vector<1536x384xf32> to vector<1536x128xf32>
    %reshape3A_89 = vector.shape_cast %slice3A_88 : vector<1536x128xf32> to vector<16x96x128xf32>
    %slice3A_90 = vector.extract_strided_slice %dot_general3A_85 {offsets = [0, 256], sizes = [1536, 128], strides = [1, 1]} : vector<1536x384xf32> to vector<1536x128xf32>
    %reshape3A_91 = vector.shape_cast %slice3A_90 : vector<1536x128xf32> to vector<16x96x128xf32>
    %concatenate3A = tpu.concatenate %reshape3A_67, %reshape3A_69, %reshape3A_71, %reshape3A_77, %reshape3A_79, %reshape3A_81, %reshape3A_87, %reshape3A_89, %reshape3A_91 in 0 : vector<16x96x128xf32>, vector<16x96x128xf32>, vector<16x96x128xf32>, vector<16x96x128xf32>, vector<16x96x128xf32>, vector<16x96x128xf32>, vector<16x96x128xf32>, vector<16x96x128xf32>, vector<16x96x128xf32> -> vector<144x96x128xf32>
    %reshape3A_92 = vector.shape_cast %concatenate3A : vector<144x96x128xf32> to vector<144x12288xf32>
    %get3A_93 = arith.constant 0 : index
    %get3A_94 = arith.constant 0 : index
    %get3A_95 = vector.load %arg2[%get3A_93, %get3A_94] : memref<32x144xf32, #tpu.memory_space<vmem>>, vector<32x144xf32>
    %convert_element_type3A_96 = arith.truncf %get3A_95 : vector<32x144xf32> to vector<32x144xbf16>
    %convert_element_type3A_97 = arith.truncf %reshape3A_92 : vector<144x12288xf32> to vector<144x12288xbf16>
    %dot_general3A_98 = arith.constant dense<0.000000e+00> : vector<32x12288xf32>
    %dot_general3A_99 = tpu.matmul %convert_element_type3A_96, %convert_element_type3A_97, %dot_general3A_98 {dimension_numbers = #tpu.dot_dimension_numbers<[1], [0], [0], [1], [0, 0, 1, 1], [], []>, transpose_lhs_hint = false} : vector<32x144xbf16>, vector<144x12288xbf16>, vector<32x12288xf32> -> vector<32x12288xf32>
    %get3A_100 = arith.constant 0 : index
    %get3A_101 = arith.constant 0 : index
    %get3A_102 = vector.load %arg3[%get3A_100, %get3A_101] : memref<32x1xf32, #tpu.memory_space<vmem>>, vector<32x1xf32>
    %add3A_103 = vector.broadcast %get3A_102 : vector<32x1xf32> to vector<32x12288xf32>
    %add3A_104 = arith.addf %dot_general3A_99, %add3A_103 : vector<32x12288xf32>
    %max3A = arith.constant 0.000000e+00 : f32
    %max3A_105 = vector.broadcast %max3A : f32 to vector<32x12288xf32>
    %max3A_106 = arith.maximumf %add3A_104, %max3A_105 : vector<32x12288xf32>
    %reshape3A_107 = vector.shape_cast %max3A_106 : vector<32x12288xf32> to vector<32x96x128xf32>
    %broadcast_in_dim3A = arith.constant 0.000000e+00 : f32
    %broadcast_in_dim3A_108 = vector.broadcast %broadcast_in_dim3A : f32 to vector<32x98x128xf32>
    %swap3A = arith.constant 0 : index
    %swap3A_109 = arith.constant 0 : index
    %swap3A_110 = arith.constant 0 : index
    %swap3A_111 = arith.constant 0 : index
    %swap3A_112 = vector.load %arg4[%swap3A, %swap3A_109, %swap3A_110, %swap3A_111] : memref<1x32x98x128xf32, #tpu.memory_space<vmem>>, vector<1x32x98x128xf32>
    %swap3A_113 = vector.shape_cast %swap3A_112 : vector<1x32x98x128xf32> to vector<32x98x128xf32>
    %swap3A_114 = vector.shape_cast %broadcast_in_dim3A_108 : vector<32x98x128xf32> to vector<1x32x98x128xf32>
    tpu.vector_store %arg4[%swap3A, %swap3A_109, %swap3A_110, %swap3A_111], %swap3A_114 {strides = array<i32>} : memref<1x32x98x128xf32, #tpu.memory_space<vmem>>, vector<1x32x98x128xf32>,
    %slice3A_115 = vector.extract_strided_slice %reshape3A_107 {offsets = [0, 0, 0], sizes = [32, 96, 96], strides = [1, 1, 1]} : vector<32x96x128xf32> to vector<32x96x96xf32>
    %swap3A_116 = arith.constant 0 : index
    %swap3A_117 = arith.constant 0 : index
    %swap3A_118 = arith.constant 1 : index
    %swap3A_119 = arith.constant 1 : index
    %swap3A_120 = vector.load %arg4[%swap3A_116, %swap3A_117, %swap3A_118, %swap3A_119] : memref<1x32x98x128xf32, #tpu.memory_space<vmem>>, vector<1x32x96x96xf32>
    %swap3A_121 = vector.shape_cast %swap3A_120 : vector<1x32x96x96xf32> to vector<32x96x96xf32>
    %swap3A_122 = vector.shape_cast %slice3A_115 : vector<32x96x96xf32> to vector<1x32x96x96xf32>
    tpu.vector_store %arg4[%swap3A_116, %swap3A_117, %swap3A_118, %swap3A_119], %swap3A_122 {strides = array<i32>} : memref<1x32x98x128xf32, #tpu.memory_space<vmem>>, vector<1x32x96x96xf32>,
    return
  }
  func.func @transform_0(%arg0: i32) -> (i32, i32, i32, i32) {
    %c0_i32 = arith.constant 0 : i32
    %c0_i32_0 = arith.constant 0 : i32
    %c0_i32_1 = arith.constant 0 : i32
    %c0_i32_2 = arith.constant 0 : i32
    return %arg0, %c0_i32, %c0_i32_0, %c0_i32_1 : i32, i32, i32, i32
  }
  func.func @transform_1(%arg0: i32) -> (i32, i32) {
    %c0_i32 = arith.constant 0 : i32
    %c0_i32_0 = arith.constant 0 : i32
    %c0_i32_1 = arith.constant 0 : i32
    return %c0_i32, %c0_i32_0 : i32, i32
  }
  func.func @transform_2(%arg0: i32) -> (i32, i32) {
    %c0_i32 = arith.constant 0 : i32
    %c0_i32_0 = arith.constant 0 : i32
    %c0_i32_1 = arith.constant 0 : i32
    return %c0_i32, %c0_i32_0 : i32, i32
  }
  func.func @transform_3(%arg0: i32) -> (i32, i32, i32, i32) {
    %c0_i32 = arith.constant 0 : i32
    %c0_i32_0 = arith.constant 0 : i32
    %c0_i32_1 = arith.constant 0 : i32
    %c0_i32_2 = arith.constant 0 : i32
    return %arg0, %c0_i32, %c0_i32_0, %c0_i32_1 : i32, i32, i32, i32
  }
}

module attributes {stable_mosaic.version = 14 : i64} {
  func.func @_conv_layer_body(%arg0: i32, %arg1: memref<1x32x98x128xf32, #tpu.memory_space<vmem>>, %arg2: memref<64x288xf32, #tpu.memory_space<vmem>>, %arg3: memref<64x1xf32, #tpu.memory_space<vmem>>, %arg4: memref<1x64x48x128xf32, #tpu.memory_space<vmem>>) attributes {dimension_semantics = [#tpu.dimension_semantics<arbitrary>], iteration_bounds = array<i64: 4>, scalar_prefetch = 0 : i64, scratch_operands = 0 : i64, tpu.core_type = #tpu.core_type<tc>, window_params = [{transform_indices = @transform_0, window_bounds = array<i64: 1, 32, 98, 128>}, {pipeline_mode = #tpu.pipeline_mode<synchronous>, transform_indices = @transform_1, window_bounds = array<i64: 64, 288>}, {pipeline_mode = #tpu.pipeline_mode<synchronous>, transform_indices = @transform_2, window_bounds = array<i64: 64, 1>}, {transform_indices = @transform_3, window_bounds = array<i64: 1, 64, 48, 128>}]} {
    %get3A = arith.constant 0 : index
    %get3A_0 = arith.constant 0 : index
    %get3A_1 = arith.constant 0 : index
    %get3A_2 = arith.constant 0 : index
    %get3A_3 = vector.load %arg1[%get3A, %get3A_0, %get3A_1, %get3A_2] : memref<1x32x98x128xf32, #tpu.memory_space<vmem>>, vector<1x32x98x128xf32>
    %get3A_4 = vector.shape_cast %get3A_3 : vector<1x32x98x128xf32> to vector<32x98x128xf32>
    %reshape3A = vector.shape_cast %get3A_4 : vector<32x98x128xf32> to vector<32x49x2x128xf32>
    %slice3A = vector.extract_strided_slice %reshape3A {offsets = [0, 0, 0, 0], sizes = [32, 49, 1, 128], strides = [1, 1, 1, 1]} : vector<32x49x2x128xf32> to vector<32x49x1x128xf32>
    %squeeze3A = vector.shape_cast %slice3A : vector<32x49x1x128xf32> to vector<32x49x128xf32>
    %slice3A_5 = vector.extract_strided_slice %reshape3A {offsets = [0, 0, 1, 0], sizes = [32, 49, 1, 128], strides = [1, 1, 1, 1]} : vector<32x49x2x128xf32> to vector<32x49x1x128xf32>
    %squeeze3A_6 = vector.shape_cast %slice3A_5 : vector<32x49x1x128xf32> to vector<32x49x128xf32>
    %slice3A_7 = vector.extract_strided_slice %squeeze3A {offsets = [0, 0, 0], sizes = [32, 48, 128], strides = [1, 1, 1]} : vector<32x49x128xf32> to vector<32x48x128xf32>
    %slice3A_8 = vector.extract_strided_slice %squeeze3A_6 {offsets = [0, 0, 0], sizes = [32, 48, 128], strides = [1, 1, 1]} : vector<32x49x128xf32> to vector<32x48x128xf32>
    %slice3A_9 = vector.extract_strided_slice %squeeze3A {offsets = [0, 1, 0], sizes = [32, 48, 128], strides = [1, 1, 1]} : vector<32x49x128xf32> to vector<32x48x128xf32>
    %iota3A = tpu.iota {dimensions = array<i32: 0>} : vector<128x384xi32>
    %iota3A_10 = tpu.iota {dimensions = array<i32: 1>} : vector<128x384xi32>
    %jit3A = arith.constant 128 : i32
    %div3A = vector.broadcast %jit3A : i32 to vector<128x384xi32>
    %div3A_11 = arith.divsi %iota3A_10, %div3A : vector<128x384xi32>
    %sign3A = arith.constant 0 : i32
    %sign3A_12 = vector.broadcast %sign3A : i32 to vector<128x384xi32>
    %sign3A_13 = arith.cmpi sgt, %iota3A_10, %sign3A_12 : vector<128x384xi32>
    %sign3A_14 = arith.extui %sign3A_13 : vector<128x384xi1> to vector<128x384xi32>
    %sign3A_15 = arith.constant 0 : i32
    %sign3A_16 = vector.broadcast %sign3A_15 : i32 to vector<128x384xi32>
    %sign3A_17 = arith.cmpi slt, %iota3A_10, %sign3A_16 : vector<128x384xi32>
    %sign3A_18 = arith.extui %sign3A_17 : vector<128x384xi1> to vector<128x384xi32>
    %sign3A_19 = arith.subi %sign3A_14, %sign3A_18 : vector<128x384xi32>
    %sign3A_20 = arith.constant 0 : i32
    %sign3A_21 = arith.cmpi sgt, %jit3A, %sign3A_20 : i32
    %sign3A_22 = arith.extui %sign3A_21 : i1 to i32
    %sign3A_23 = arith.constant 0 : i32
    %sign3A_24 = arith.cmpi slt, %jit3A, %sign3A_23 : i32
    %sign3A_25 = arith.extui %sign3A_24 : i1 to i32
    %sign3A_26 = arith.subi %sign3A_22, %sign3A_25 : i32
    %ne3A = vector.broadcast %sign3A_26 : i32 to vector<128x384xi32>
    %ne3A_27 = arith.cmpi ne, %sign3A_19, %ne3A : vector<128x384xi32>
    %rem3A = vector.broadcast %jit3A : i32 to vector<128x384xi32>
    %rem3A_28 = arith.remsi %iota3A_10, %rem3A : vector<128x384xi32>
    %ne3A_29 = arith.constant 0 : i32
    %ne3A_30 = vector.broadcast %ne3A_29 : i32 to vector<128x384xi32>
    %ne3A_31 = arith.cmpi ne, %rem3A_28, %ne3A_30 : vector<128x384xi32>
    %and3A = arith.andi %ne3A_27, %ne3A_31 : vector<128x384xi1>
    %sub3A = arith.constant 1 : i32
    %sub3A_32 = vector.broadcast %sub3A : i32 to vector<128x384xi32>
    %sub3A_33 = arith.subi %div3A_11, %sub3A_32 : vector<128x384xi32>
    %select_n3A = arith.select %and3A, %sub3A_33, %div3A_11 : vector<128x384xi1>, vector<128x384xi32>
    %jit3A_34 = arith.constant 128 : i32
    %eq3A = arith.constant 0 : i32
    %eq3A_35 = arith.cmpi eq, %jit3A_34, %eq3A : i32
    %jit3A_36 = arith.constant 1 : i32
    %select_n3A_37 = arith.select %eq3A_35, %jit3A_36, %jit3A_34 : i32
    %rem3A_38 = vector.broadcast %select_n3A_37 : i32 to vector<128x384xi32>
    %rem3A_39 = arith.remsi %iota3A_10, %rem3A_38 : vector<128x384xi32>
    %ne3A_40 = arith.constant 0 : i32
    %ne3A_41 = vector.broadcast %ne3A_40 : i32 to vector<128x384xi32>
    %ne3A_42 = arith.cmpi ne, %rem3A_39, %ne3A_41 : vector<128x384xi32>
    %lt3A = arith.constant 0 : i32
    %lt3A_43 = vector.broadcast %lt3A : i32 to vector<128x384xi32>
    %lt3A_44 = arith.cmpi slt, %rem3A_39, %lt3A_43 : vector<128x384xi32>
    %lt3A_45 = arith.constant 0 : i32
    %lt3A_46 = arith.cmpi slt, %select_n3A_37, %lt3A_45 : i32
    %ne3A_47 = vector.broadcast %lt3A_46 : i1 to vector<128x384xi1>
    %ne3A_48 = vector.broadcast %ne3A_47 : vector<128x384xi1> to vector<128x384xi1>
    %ne3A_49 = arith.xori %lt3A_44, %ne3A_48 : vector<128x384xi1>
    %and3A_50 = arith.andi %ne3A_49, %ne3A_42 : vector<128x384xi1>
    %add3A = vector.broadcast %select_n3A_37 : i32 to vector<128x384xi32>
    %add3A_51 = arith.addi %rem3A_39, %add3A : vector<128x384xi32>
    %select_n3A_52 = arith.select %and3A_50, %add3A_51, %rem3A_39 : vector<128x384xi1>, vector<128x384xi32>
    %mul3A = arith.constant 2 : i32
    %mul3A_53 = vector.broadcast %mul3A : i32 to vector<128x384xi32>
    %mul3A_54 = arith.muli %mul3A_53, %select_n3A_52 : vector<128x384xi32>
    %add3A_55 = arith.addi %mul3A_54, %select_n3A : vector<128x384xi32>
    %eq3A_56 = arith.cmpi eq, %iota3A, %add3A_55 : vector<128x384xi32>
    %lt3A_57 = arith.constant 48 : i32
    %lt3A_58 = vector.broadcast %lt3A_57 : i32 to vector<128x384xi32>
    %lt3A_59 = arith.cmpi slt, %select_n3A_52, %lt3A_58 : vector<128x384xi32>
    %and3A_60 = arith.andi %eq3A_56, %lt3A_59 : vector<128x384xi1>
    %convert_element_type3A = arith.extui %and3A_60 : vector<128x384xi1> to vector<128x384xi32>
    %convert_element_type3A_61 = arith.sitofp %convert_element_type3A : vector<128x384xi32> to vector<128x384xf32>
    %convert_element_type3A_62 = arith.truncf %convert_element_type3A_61 : vector<128x384xf32> to vector<128x384xbf16>
    %reshape3A_63 = vector.shape_cast %slice3A_7 : vector<32x48x128xf32> to vector<1536x128xf32>
    %convert_element_type3A_64 = arith.truncf %reshape3A_63 : vector<1536x128xf32> to vector<1536x128xbf16>
    %dot_general3A = arith.constant dense<0.000000e+00> : vector<1536x384xf32>
    %dot_general3A_65 = tpu.matmul %convert_element_type3A_64, %convert_element_type3A_62, %dot_general3A {dimension_numbers = #tpu.dot_dimension_numbers<[1], [0], [0], [1], [0, 0, 1, 1], [], []>, transpose_lhs_hint = false} : vector<1536x128xbf16>, vector<128x384xbf16>, vector<1536x384xf32> -> vector<1536x384xf32>
    %slice3A_66 = vector.extract_strided_slice %dot_general3A_65 {offsets = [0, 0], sizes = [1536, 128], strides = [1, 1]} : vector<1536x384xf32> to vector<1536x128xf32>
    %reshape3A_67 = vector.shape_cast %slice3A_66 : vector<1536x128xf32> to vector<32x48x128xf32>
    %slice3A_68 = vector.extract_strided_slice %dot_general3A_65 {offsets = [0, 128], sizes = [1536, 128], strides = [1, 1]} : vector<1536x384xf32> to vector<1536x128xf32>
    %reshape3A_69 = vector.shape_cast %slice3A_68 : vector<1536x128xf32> to vector<32x48x128xf32>
    %slice3A_70 = vector.extract_strided_slice %dot_general3A_65 {offsets = [0, 256], sizes = [1536, 128], strides = [1, 1]} : vector<1536x384xf32> to vector<1536x128xf32>
    %reshape3A_71 = vector.shape_cast %slice3A_70 : vector<1536x128xf32> to vector<32x48x128xf32>
    %reshape3A_72 = vector.shape_cast %slice3A_8 : vector<32x48x128xf32> to vector<1536x128xf32>
    %convert_element_type3A_73 = arith.truncf %reshape3A_72 : vector<1536x128xf32> to vector<1536x128xbf16>
    %dot_general3A_74 = arith.constant dense<0.000000e+00> : vector<1536x384xf32>
    %dot_general3A_75 = tpu.matmul %convert_element_type3A_73, %convert_element_type3A_62, %dot_general3A_74 {dimension_numbers = #tpu.dot_dimension_numbers<[1], [0], [0], [1], [0, 0, 1, 1], [], []>, transpose_lhs_hint = false} : vector<1536x128xbf16>, vector<128x384xbf16>, vector<1536x384xf32> -> vector<1536x384xf32>
    %slice3A_76 = vector.extract_strided_slice %dot_general3A_75 {offsets = [0, 0], sizes = [1536, 128], strides = [1, 1]} : vector<1536x384xf32> to vector<1536x128xf32>
    %reshape3A_77 = vector.shape_cast %slice3A_76 : vector<1536x128xf32> to vector<32x48x128xf32>
    %slice3A_78 = vector.extract_strided_slice %dot_general3A_75 {offsets = [0, 128], sizes = [1536, 128], strides = [1, 1]} : vector<1536x384xf32> to vector<1536x128xf32>
    %reshape3A_79 = vector.shape_cast %slice3A_78 : vector<1536x128xf32> to vector<32x48x128xf32>
    %slice3A_80 = vector.extract_strided_slice %dot_general3A_75 {offsets = [0, 256], sizes = [1536, 128], strides = [1, 1]} : vector<1536x384xf32> to vector<1536x128xf32>
    %reshape3A_81 = vector.shape_cast %slice3A_80 : vector<1536x128xf32> to vector<32x48x128xf32>
    %reshape3A_82 = vector.shape_cast %slice3A_9 : vector<32x48x128xf32> to vector<1536x128xf32>
    %convert_element_type3A_83 = arith.truncf %reshape3A_82 : vector<1536x128xf32> to vector<1536x128xbf16>
    %dot_general3A_84 = arith.constant dense<0.000000e+00> : vector<1536x384xf32>
    %dot_general3A_85 = tpu.matmul %convert_element_type3A_83, %convert_element_type3A_62, %dot_general3A_84 {dimension_numbers = #tpu.dot_dimension_numbers<[1], [0], [0], [1], [0, 0, 1, 1], [], []>, transpose_lhs_hint = false} : vector<1536x128xbf16>, vector<128x384xbf16>, vector<1536x384xf32> -> vector<1536x384xf32>
    %slice3A_86 = vector.extract_strided_slice %dot_general3A_85 {offsets = [0, 0], sizes = [1536, 128], strides = [1, 1]} : vector<1536x384xf32> to vector<1536x128xf32>
    %reshape3A_87 = vector.shape_cast %slice3A_86 : vector<1536x128xf32> to vector<32x48x128xf32>
    %slice3A_88 = vector.extract_strided_slice %dot_general3A_85 {offsets = [0, 128], sizes = [1536, 128], strides = [1, 1]} : vector<1536x384xf32> to vector<1536x128xf32>
    %reshape3A_89 = vector.shape_cast %slice3A_88 : vector<1536x128xf32> to vector<32x48x128xf32>
    %slice3A_90 = vector.extract_strided_slice %dot_general3A_85 {offsets = [0, 256], sizes = [1536, 128], strides = [1, 1]} : vector<1536x384xf32> to vector<1536x128xf32>
    %reshape3A_91 = vector.shape_cast %slice3A_90 : vector<1536x128xf32> to vector<32x48x128xf32>
    %concatenate3A = tpu.concatenate %reshape3A_67, %reshape3A_69, %reshape3A_71, %reshape3A_77, %reshape3A_79, %reshape3A_81, %reshape3A_87, %reshape3A_89, %reshape3A_91 in 0 : vector<32x48x128xf32>, vector<32x48x128xf32>, vector<32x48x128xf32>, vector<32x48x128xf32>, vector<32x48x128xf32>, vector<32x48x128xf32>, vector<32x48x128xf32>, vector<32x48x128xf32>, vector<32x48x128xf32> -> vector<288x48x128xf32>
    %reshape3A_92 = vector.shape_cast %concatenate3A : vector<288x48x128xf32> to vector<288x6144xf32>
    %get3A_93 = arith.constant 0 : index
    %get3A_94 = arith.constant 0 : index
    %get3A_95 = vector.load %arg2[%get3A_93, %get3A_94] : memref<64x288xf32, #tpu.memory_space<vmem>>, vector<64x288xf32>
    %convert_element_type3A_96 = arith.truncf %get3A_95 : vector<64x288xf32> to vector<64x288xbf16>
    %convert_element_type3A_97 = arith.truncf %reshape3A_92 : vector<288x6144xf32> to vector<288x6144xbf16>
    %dot_general3A_98 = arith.constant dense<0.000000e+00> : vector<64x6144xf32>
    %dot_general3A_99 = tpu.matmul %convert_element_type3A_96, %convert_element_type3A_97, %dot_general3A_98 {dimension_numbers = #tpu.dot_dimension_numbers<[1], [0], [0], [1], [0, 0, 1, 1], [], []>, transpose_lhs_hint = false} : vector<64x288xbf16>, vector<288x6144xbf16>, vector<64x6144xf32> -> vector<64x6144xf32>
    %get3A_100 = arith.constant 0 : index
    %get3A_101 = arith.constant 0 : index
    %get3A_102 = vector.load %arg3[%get3A_100, %get3A_101] : memref<64x1xf32, #tpu.memory_space<vmem>>, vector<64x1xf32>
    %add3A_103 = vector.broadcast %get3A_102 : vector<64x1xf32> to vector<64x6144xf32>
    %add3A_104 = arith.addf %dot_general3A_99, %add3A_103 : vector<64x6144xf32>
    %reshape3A_105 = vector.shape_cast %add3A_104 : vector<64x6144xf32> to vector<64x48x128xf32>
    %swap3A = arith.constant 0 : index
    %swap3A_106 = arith.constant 0 : index
    %swap3A_107 = arith.constant 0 : index
    %swap3A_108 = arith.constant 0 : index
    %swap3A_109 = vector.load %arg4[%swap3A, %swap3A_106, %swap3A_107, %swap3A_108] : memref<1x64x48x128xf32, #tpu.memory_space<vmem>>, vector<1x64x48x128xf32>
    %swap3A_110 = vector.shape_cast %swap3A_109 : vector<1x64x48x128xf32> to vector<64x48x128xf32>
    %swap3A_111 = vector.shape_cast %reshape3A_105 : vector<64x48x128xf32> to vector<1x64x48x128xf32>
    tpu.vector_store %arg4[%swap3A, %swap3A_106, %swap3A_107, %swap3A_108], %swap3A_111 {strides = array<i32>} : memref<1x64x48x128xf32, #tpu.memory_space<vmem>>, vector<1x64x48x128xf32>,
    return
  }
  func.func @transform_0(%arg0: i32) -> (i32, i32, i32, i32) {
    %c0_i32 = arith.constant 0 : i32
    %c0_i32_0 = arith.constant 0 : i32
    %c0_i32_1 = arith.constant 0 : i32
    %c0_i32_2 = arith.constant 0 : i32
    return %arg0, %c0_i32, %c0_i32_0, %c0_i32_1 : i32, i32, i32, i32
  }
  func.func @transform_1(%arg0: i32) -> (i32, i32) {
    %c0_i32 = arith.constant 0 : i32
    %c0_i32_0 = arith.constant 0 : i32
    %c0_i32_1 = arith.constant 0 : i32
    return %c0_i32, %c0_i32_0 : i32, i32
  }
  func.func @transform_2(%arg0: i32) -> (i32, i32) {
    %c0_i32 = arith.constant 0 : i32
    %c0_i32_0 = arith.constant 0 : i32
    %c0_i32_1 = arith.constant 0 : i32
    return %c0_i32, %c0_i32_0 : i32, i32
  }
  func.func @transform_3(%arg0: i32) -> (i32, i32, i32, i32) {
    %c0_i32 = arith.constant 0 : i32
    %c0_i32_0 = arith.constant 0 : i32
    %c0_i32_1 = arith.constant 0 : i32
    %c0_i32_2 = arith.constant 0 : i32
    return %arg0, %c0_i32, %c0_i32_0, %c0_i32_1 : i32, i32, i32, i32
  }
}

module attributes {stable_mosaic.version = 14 : i64} {
  func.func @_vq_body(%arg0: i32, %arg1: i32, %arg2: memref<1x64x384xf32, #tpu.memory_space<vmem>>, %arg3: memref<8192x64xf32, #tpu.memory_space<vmem>>, %arg4: memref<1x1x384xi32, #tpu.memory_space<vmem>>) attributes {dimension_semantics = [#tpu.dimension_semantics<arbitrary>, #tpu.dimension_semantics<arbitrary>], iteration_bounds = array<i64: 4, 6>, scalar_prefetch = 0 : i64, scratch_operands = 0 : i64, tpu.core_type = #tpu.core_type<tc>, window_params = [{transform_indices = @transform_0, window_bounds = array<i64: 1, 64, 384>}, {pipeline_mode = #tpu.pipeline_mode<synchronous>, transform_indices = @transform_1, window_bounds = array<i64: 8192, 64>}, {transform_indices = @transform_2, window_bounds = array<i64: 1, 1, 384>}]} {
    %get3A = arith.constant 0 : index
    %get3A_0 = arith.constant 0 : index
    %get3A_1 = arith.constant 0 : index
    %get3A_2 = vector.load %arg2[%get3A, %get3A_0, %get3A_1] : memref<1x64x384xf32, #tpu.memory_space<vmem>>, vector<1x64x384xf32>
    %get3A_3 = vector.shape_cast %get3A_2 : vector<1x64x384xf32> to vector<64x384xf32>
    %get3A_4 = arith.constant 0 : index
    %get3A_5 = arith.constant 0 : index
    %get3A_6 = vector.load %arg3[%get3A_4, %get3A_5] : memref<8192x64xf32, #tpu.memory_space<vmem>>, vector<8192x64xf32>
    %convert_element_type3A = arith.truncf %get3A_6 : vector<8192x64xf32> to vector<8192x64xbf16>
    %convert_element_type3A_7 = arith.truncf %get3A_3 : vector<64x384xf32> to vector<64x384xbf16>
    %dot_general3A = arith.constant dense<0.000000e+00> : vector<8192x384xf32>
    %dot_general3A_8 = tpu.matmul %convert_element_type3A, %convert_element_type3A_7, %dot_general3A {dimension_numbers = #tpu.dot_dimension_numbers<[1], [0], [0], [1], [0, 0, 1, 1], [], []>, transpose_lhs_hint = false} : vector<8192x64xbf16>, vector<64x384xbf16>, vector<8192x384xf32> -> vector<8192x384xf32>
    %mul3A = arith.mulf %get3A_6, %get3A_6 : vector<8192x64xf32>
    %reduce_sum3A = arith.constant dense<0.000000e+00> : vector<8192xf32>
    %reduce_sum3A_9 = vector.multi_reduction <add>, %mul3A, %reduce_sum3A [1] : vector<8192x64xf32> to vector<8192xf32>
    %broadcast_in_dim3A = vector.shape_cast %reduce_sum3A_9 : vector<8192xf32> to vector<8192x1xf32>
    %mul3A_10 = arith.mulf %get3A_3, %get3A_3 : vector<64x384xf32>
    %reduce_sum3A_11 = arith.constant dense<0.000000e+00> : vector<384xf32>
    %reduce_sum3A_12 = vector.multi_reduction <add>, %mul3A_10, %reduce_sum3A_11 [0] : vector<64x384xf32> to vector<384xf32>
    %broadcast_in_dim3A_13 = vector.shape_cast %reduce_sum3A_12 : vector<384xf32> to vector<1x384xf32>
    %add3A = vector.broadcast %broadcast_in_dim3A : vector<8192x1xf32> to vector<8192x384xf32>
    %add3A_14 = vector.broadcast %broadcast_in_dim3A_13 : vector<1x384xf32> to vector<8192x384xf32>
    %add3A_15 = arith.addf %add3A, %add3A_14 : vector<8192x384xf32>
    %mul3A_16 = arith.constant 2.000000e+00 : f32
    %mul3A_17 = vector.broadcast %mul3A_16 : f32 to vector<8192x384xf32>
    %mul3A_18 = arith.mulf %mul3A_17, %dot_general3A_8 : vector<8192x384xf32>
    %sub3A = arith.subf %add3A_15, %mul3A_18 : vector<8192x384xf32>
    %max3A = arith.constant 0.000000e+00 : f32
    %max3A_19 = vector.broadcast %max3A : f32 to vector<8192x384xf32>
    %max3A_20 = arith.maximumf %sub3A, %max3A_19 : vector<8192x384xf32>
    %reduce_min3A = arith.constant dense<0x7F800000> : vector<384xf32>
    %reduce_min3A_21 = vector.multi_reduction <minimumf>, %max3A_20, %reduce_min3A [0] : vector<8192x384xf32> to vector<384xf32>
    %broadcast_in_dim3A_22 = vector.shape_cast %reduce_min3A_21 : vector<384xf32> to vector<1x384xf32>
    %iota3A = tpu.iota {dimensions = array<i32: 0>} : vector<8192x384xi32>
    %le3A = vector.broadcast %broadcast_in_dim3A_22 : vector<1x384xf32> to vector<8192x384xf32>
    %le3A_23 = arith.cmpf ole, %max3A_20, %le3A : vector<8192x384xf32>
    %jit3A = arith.constant 1073741824 : i32
    %broadcast_in_dim3A_24 = vector.broadcast %jit3A : i32 to vector<8192x384xi32>
    %select_n3A = arith.select %le3A_23, %iota3A, %broadcast_in_dim3A_24 : vector<8192x384xi1>, vector<8192x384xi32>
    %reduce_min3A_25 = arith.constant dense<2147483647> : vector<384xi32>
    %reduce_min3A_26 = vector.multi_reduction <minsi>, %select_n3A, %reduce_min3A_25 [0] : vector<8192x384xi32> to vector<384xi32>
    %broadcast_in_dim3A_27 = vector.shape_cast %reduce_min3A_26 : vector<384xi32> to vector<1x384xi32>
    %swap3A = arith.constant 0 : index
    %swap3A_28 = arith.constant 0 : index
    %swap3A_29 = arith.constant 0 : index
    %swap3A_30 = vector.load %arg4[%swap3A, %swap3A_28, %swap3A_29] : memref<1x1x384xi32, #tpu.memory_space<vmem>>, vector<1x1x384xi32>
    %swap3A_31 = vector.shape_cast %swap3A_30 : vector<1x1x384xi32> to vector<1x384xi32>
    %swap3A_32 = vector.shape_cast %broadcast_in_dim3A_27 : vector<1x384xi32> to vector<1x1x384xi32>
    tpu.vector_store %arg4[%swap3A, %swap3A_28, %swap3A_29], %swap3A_32 {strides = array<i32>} : memref<1x1x384xi32, #tpu.memory_space<vmem>>, vector<1x1x384xi32>,
    return
  }
  func.func @transform_0(%arg0: i32, %arg1: i32) -> (i32, i32, i32) {
    %c0_i32 = arith.constant 0 : i32
    %c0_i32_0 = arith.constant 0 : i32
    return %arg0, %c0_i32, %arg1 : i32, i32, i32
  }
  func.func @transform_1(%arg0: i32, %arg1: i32) -> (i32, i32) {
    %c0_i32 = arith.constant 0 : i32
    %c0_i32_0 = arith.constant 0 : i32
    %c0_i32_1 = arith.constant 0 : i32
    return %c0_i32, %c0_i32_0 : i32, i32
  }
  func.func @transform_2(%arg0: i32, %arg1: i32) -> (i32, i32, i32) {
    %c0_i32 = arith.constant 0 : i32
    %c0_i32_0 = arith.constant 0 : i32
    return %arg0, %c0_i32, %arg1 : i32, i32, i32
  }
}

</mosaic_0001>

<sc_bundles>
// kernel: kernel.7.cloned.1.call-start
scs
__scs_entry_jumppad:
0x0: {  	(pc) =	sbr.rel $0x88, $3  }
0x1: {  	(tag) =	ssettag $0x0;
	lr =	simm.s32 $0x1  }
0x2: {  	[smem:$0x3F98] =	sst lr;
	_ =	strace $0xD0000000  }
0x3: {  	_ = 	snop  }
0x4: {  	_ = 	snop  }
0x5: {  	_ = 	snop  }
0x6: {  	_ = 	snop  }
0x7: {  	_ = 	snop  }
__scs_overlays_trampoline_lowered:
0x8: {  	[smem:$0x3FA7] =	sst s0  }
0x9: {  	[smem:$0x3FA8] =	sst s1  }
0xa: {  	[smem:$0x3FA9] =	sst s2  }
0xb: {  	[smem:$0x3FAA] =	sst s3  }
0xc: {  	[smem:$0x3FAB] =	sst s4  }
0xd: {  	[smem:$0x3FAC] =	sst s5  }
0xe: {  	[smem:$0x3FAD] =	sst s6  }
0xf: {  	[smem:$0x3FAE] =	sst s7  }
0x10: {  	[smem:$0x3FAF] =	sst s8  }
0x11: {  	[smem:$0x3FB0] =	sst s9;
	s0 =	simm.s32 @!p0 $0x0  }
0x12: {  	s1 =	sld [smem:$0x3F96];
	s0 =	simm.s32 @p0 $0x1  }
0x13: {  	[smem:$0x3FB1] =	sst s0;
	s0 =	simm.s32 @!p1 $0x0  }
0x14: {  	s2 =	sld [smem:$0x3F95];
	s0 =	simm.s32 @p1 $0x1  }
0x15: {  	[smem:$0x3FB2] =	sst s0;
	s0 =	simm.s32 @!p2 $0x0  }
0x16: {  	s3 =	sld [smem:$0x3FDB];
	s0 =	simm.s32 @p2 $0x1  }
0x17: {  	s4 =	simm.s32 $0x1BF5;
	[smem:$0x3FB4] =	sst s0  }
0x18: {  	s0 =	sld [smem:$0x3F97];
	_ =	swait.ge [sflag:s4], $0x0  }
0x19: {  	s7 =	sld [smem:$0x3F98]  }
0x1a: {  	s8 =	sadd.s32 $0xFFFFE003, lr  }
0x1b: {  	s9 =	sadd.s32 $0xFFFFFEF7, lr;
	s5 =	simm.s32 $0xFFFFFFFF;
	p2 =	slt.u32 s8, $0xFFFFF086  }
0x1c: {  	p1 =	slt.u32 s9, $0xF7A;
	s5 =	simm.s32 @!p2 $0x0  }
0x1d: {  	s5 =	simm.s32 @p1 $0x1;
	p0 =	seq.s32 s7, s2  }
0x1e: {  	s7 =	smul.u32 @!p0 $0xF7A, s2;
	p2 =	seq.s32 @!p0 s5, $0x0  }
0x1f: {  	s9 =	smul.u32 $0xF7A, s1;
	s8 =	simm.s32 @!p0 $0x1BF5;
	p2 =	por !p2, p0  }
0x20: {  	[sflag:s8] =	ssyncset.s32 @!p0 $0xFFFFF086;
	s6 =	sadd.s32 @!p0 s3, s7;
	s7 =	simm.s32 @!p0 $0x108  }
0x21: {  	s3 =	sadd.s32 s3, s9;
	s6 =	sadd.s32 @!p0 $0x88, s6;
	s7 =	simm.s32 @p2 $0x1082  }
0x22: {  	[simem:s7], [sflag:s8] =	dma.local @!p0 [hbm:s6], $0xF7A  }
0x23: {  	s9 =	sor.u32 $0xD0000000, s2;
	s6 =	simm.s32 $0x108;
	_ =	swait.ge @!p0 [sflag:s8], $0x0  }
0x24: {  	s3 =	sadd.s32 $0x88, s3;
	s6 =	simm.s32 @!p1 $0x1082;
	[sflag:s4] =	ssyncset.s32 $0xFFFFF086  }
0x25: {  	[simem:s6], [sflag:s4] =	dma.local [hbm:s3], $0xF7A  }
0x26: {  	[smem:$0x3F98] =	sst s1;
	(tag) =	ssettag s2;
	_ =	strace s9  }
0x27: {  	s1 =	sld [smem:$0x3FA8]  }
0x28: {  	s2 =	sld [smem:$0x3FA9]  }
0x29: {  	s4 =	sld [smem:$0x3FAB]  }
0x2a: {  	p0 =	seq.s32 s5, $0x0;
	s5 =	sld [smem:$0x3FAC]  }
0x2b: {  	s6 =	sld [smem:$0x3FAD]  }
0x2c: {  	s7 =	sld [smem:$0x3FAE]  }
0x2d: {  	s3 =	simm.s32 $0x108;
	s8 =	sld [smem:$0x3FAF]  }
0x2e: {  	s3 =	simm.s32 @!p0 $0x1082;
	s9 =	sld [smem:$0x3FB0]  }
0x2f: {  	lr =	sadd.s32 s0, s3;
	s0 =	sld [smem:$0x3FA7]  }
0x30: {  	s3 =	sld [smem:$0x3FAA]  }
0x31: {  	[smem:$0x3FB3] =	sst s10  }
0x32: {  	s10 =	sld [smem:$0x3FB1];
	_ =	sdelay $0x3  }
0x33: {  	p0 =	seq.s32 s10, $0x1;
	s10 =	sld [smem:$0x3FB3];
	_ =	sdelay $0x3  }
0x34: {  	[smem:$0x3FB3] =	sst s10  }
0x35: {  	s10 =	sld [smem:$0x3FB2];
	_ =	sdelay $0x3  }
0x36: {  	p1 =	seq.s32 s10, $0x1;
	s10 =	sld [smem:$0x3FB3];
	_ =	sdelay $0x3  }
0x37: {  	[smem:$0x3FB3] =	sst s10  }
0x38: {  	s10 =	sld [smem:$0x3FB4]  }
0x39: {  	_ = 	snop;
	(pc) =	sbr.ind lr, $3  }
0x3a: {  	_ = 	snop  }
0x3b: {  	_ = 	snop  }
0x3c: {  	p2 =	seq.s32 s10, $0x1;
	s10 =	sld [smem:$0x3FB3]  }
0x3d: {  	_ =	shalt  }
0x3e: {  	_ =	shalt  }
0x3f: {  	_ =	shalt  }
0x40: {  	_ =	shalt  }
0x41: {  	_ =	shalt  }
0x42: {  	_ =	shalt  }
0x43: {  	_ =	shalt  }
0x44: {  	_ =	shalt  }
0x45: {  	_ =	shalt  }
0x46: {  	_ =	shalt  }
0x47: {  	_ =	shalt  }
0x48: {  	_ =	shalt  }
0x49: {  	_ =	shalt  }
0x4a: {  	_ =	shalt  }
0x4b: {  	_ =	shalt  }
0x4c: {  	_ =	shalt  }
0x4d: {  	_ =	shalt  }
0x4e: {  	_ =	shalt  }
0x4f: {  	_ =	shalt  }
0x50: {  	_ =	shalt  }
0x51: {  	_ =	shalt  }
0x52: {  	_ =	shalt  }
0x53: {  	_ =	shalt  }
0x54: {  	_ =	shalt  }
0x55: {  	_ =	shalt  }
0x56: {  	_ =	shalt  }
0x57: {  	_ =	shalt  }
0x58: {  	_ =	shalt  }
0x59: {  	_ =	shalt  }
0x5a: {  	_ =	shalt  }
0x5b: {  	_ =	shalt  }
0x5c: {  	_ =	shalt  }
0x5d: {  	_ =	shalt  }
0x5e: {  	_ =	shalt  }
0x5f: {  	_ =	shalt  }
0x60: {  	_ =	shalt  }
0x61: {  	_ =	shalt  }
0x62: {  	_ =	shalt  }
0x63: {  	_ =	shalt  }
0x64: {  	_ =	shalt  }
0x65: {  	_ =	shalt  }
0x66: {  	_ =	shalt  }
0x67: {  	_ =	shalt  }
0x68: {  	_ =	shalt  }
0x69: {  	_ =	shalt  }
0x6a: {  	_ =	shalt  }
0x6b: {  	_ =	shalt  }
0x6c: {  	_ =	shalt  }
0x6d: {  	_ =	shalt  }
0x6e: {  	_ =	shalt  }
0x6f: {  	_ =	shalt  }
0x70: {  	_ =	shalt  }
0x71: {  	_ =	shalt  }
0x72: {  	_ =	shalt  }
0x73: {  	_ =	shalt  }
0x74: {  	_ =	shalt  }
0x75: {  	_ =	shalt  }
0x76: {  	_ =	shalt  }
0x77: {  	_ =	shalt  }
0x78: {  	_ =	shalt  }
0x79: {  	_ =	shalt  }
0x7a: {  	_ =	shalt  }
0x7b: {  	_ =	shalt  }
0x7c: {  	_ =	shalt  }
0x7d: {  	_ =	shalt  }
0x7e: {  	_ =	shalt  }
0x7f: {  	_ =	shalt  }
0x80: {  	_ =	shalt  }
0x81: {  	_ =	shalt  }
0x82: {  	_ =	shalt  }
0x83: {  	_ =	shalt  }
0x84: {  	_ =	shalt  }
0x85: {  	_ =	shalt  }
0x86: {  	_ =	shalt  }
0x87: {  	_ =	shalt  }
.Lfunc_end0:
.L_simem_size_0:
called_computation_lowered:
.L_overlay_start_0:
0x88: {  	s2 =	sld [smem:$0x3FD9]  }
0x89: {  	s3 =	sld [smem:$0x3FFE];
	_ =	sdelay $0x1  }
0x8a: {  	s1 =	srdreg.scid  }
0x8b: {  	s0 =	sand.u32 $0x1, s1  }
0x8c: {  	s14 =	sshll.u32 s0, $0xA;
	s2 =	sadd.s32 s3, s2  }
0x8d: {  	s2 =	sadd.s32 s2, s14  }
0x8e: {  	[smem:$0x3FBF] =	sst s2  }
0x8f: {  	_ = 	snop  }
0x90: {  	s2 =	sld [smem:$0x3FD0];
	_ =	sdelay $0x2  }
0x91: {  	s15 =	simm.s32 $0xA;
	s4 =	simm.s32 $0x10  }
0x92: {  	[smem:s4], [sflag:s15] =	dma.local [hbm:s2], $0x1  }
0x93: {  	_ =	swait.eq [sflag:s15], $0x1  }
0x94: {  	[sflag:s15] =	ssyncset.done $0x0  }
0x95: {  	[sflag:s15] =	ssyncadd.s32 $0xFFFFFFFF  }
0x96: {  	s16 =	sld [smem:$0x11];
	(tm) =	ssettm $0x1  }
0x97: {  	s17 =	sld [smem:$0x3FFB];
	_ =	sdelay $0x3  }
0x98: {  	_ =	strace s17  }
0x99: {  	s3 =	sld [smem:$0x3FFC];
	_ =	sdelay $0x3  }
0x9a: {  	_ =	strace s3  }
0x9b: {  	s3 =	sld [smem:$0x3FFD];
	_ =	sdelay $0x3  }
0x9c: {  	_ =	strace s3  }
0x9d: {  	_ =	strace $0x8FFFFFFF  }
0x9e: {  	s18 =	sld [smem:$0x3FDB];
	_ =	sdelay $0x1  }
0x9f: {  	s19 =	simm.s32 $_scs_section_size  }
0xa0: {  	s5 =	simm.s32 $_size__tile_overlayer_lowered;
	s6 =	simm.s32 $_tile_overlayer_lowered  }
0xa1: {  	s22 =	simm.s32 $0x1BFF;
	s21 =	sshll.u32 s6, $0x1;
	s3 =	sadd.s32 s19, s18  }
0xa2: {  	s7 =	simm.s32 $0x0;
	s20 =	sshll.u32 s5, $0x1;
	s5 =	sadd.s32 s21, s3  }
0xa3: {  	[timem:s7], [sflag:s22] =	dma.local [hbm:s5], s20  }
0xa4: {  	_ =	swait.ge [sflag:s22], s20  }
0xa5: {  	s4 =	ssub.s32 $0x0, s20;
	[sflag:s22] =	ssyncset.done $0x0  }
0xa6: {  	[sflag:s22] =	ssyncadd.s32 s4;
	_ =	sdelay $0x1  }
0xa7: {  	s23 =	simm.s32 $0x1B8B  }
0xa8: {  	_ =	swait.ge [sflag:s23], $0x1  }
0xa9: {  	[sflag:s23] =	ssyncset.done $0x0  }
0xaa: {  	s25 =	simm.s32 $0x1B8E;
	s24 =	sld [smem:$0x3FFE];
	[sflag:s23] =	ssyncadd.s32 $0xFFFFFFFF  }
0xab: {  	s26 =	simm.s32 $execute0_lowered;
	[smem:$0x3FD2] =	sst s25  }
0xac: {  	s5 =	sshll.u32 s26, $0x1;
	_ =	strace $0x80000046;
	[dreg:$0x1] =	wrdreg $0xFFFFFFFF  }
0xad: {  	s28 =	simm.s32 $_size_execute0_lowered;
	s3 =	sadd.s32 s3, s5;
	[dreg:$0x0] =	wrdreg $0x0  }
0xae: {  	s5 =	sshll.u32 s28, $0x1;
	[dreg:$0x2] =	wrdreg s3  }
0xaf: {  	[dreg:$0x3] =	wrdreg s5  }
0xb0: {  	[dreg:$0x4] =	wrdreg $0xC0  }
0xb1: {  	_ =	task [dreg:s7], $0x5FFFF  }
0xb2: {  	[dreg:$0x1] =	wrdreg $0xFFFFFFFF  }
0xb3: {  	[dreg:$0x0] =	wrdreg $0x60  }
0xb4: {  	[dreg:$0x2] =	wrdreg s24  }
0xb5: {  	[dreg:$0x3] =	wrdreg s16  }
0xb6: {  	[dreg:$0x4] =	wrdreg $0x92000  }
0xb7: {  	[dreg:$0x5] =	wrdreg $0x9  }
0xb8: {  	_ =	task.clear_ibuf [dreg:s7], $0x6FFFF;
	_ =	strace $0x90000046  }
0xb9: {  	s29 =	simm.s32 $0x9;
	_ =	strace $0x80000048  }
0xba: {  	_ =	swait.ge [sflag:s29], $0x1  }
0xbb: {  	[sflag:s29] =	ssyncadd.s32 $0xFFFFFFFF  }
0xbc: {  	_ =	strace $0x90000048  }
0xbd: {  	_ =	sfence  }
0xbe: {  	s30 =	sld [smem:$0x0];
	_ =	sdelay $0x2  }
0xbf: {  	s31 =	sshll.u32 s1, $0xD;
	s1 =	sshrl.u32 s1, $0x2  }
0xc0: {  	s3 =	sand.u32 $0x4000, s31;
	s1 =	sadd.s32 s1, s30  }
0xc1: {  	s0 =	sor.u32 s3, s0;
	s1 =	sshll.u32 s1, $0x11  }
0xc2: {  	s0 =	sor.u32 s1, s0  }
0xc3: {  	s0 =	sadd.s32 $0x8F2B, s0  }
0xc4: {  	[sflag:s0] =	ssyncadd.remote.s32 $0x1  }
0xc5: {  	_ =	sfence.sel $0xFFFF  }
0xc6: {  	[dreg:$0x0] =	wrdreg $0xFFFFFFFF;
	(pc) =	sbr.abs _section_cstart, $3  }
0xc7: {  	[dreg:$0x1] =	wrdreg $0xFFFFFFFF  }
0xc8: {  	_ =	task.clear_ibuf [dreg:s7], $0x2FFFF;
	_ =	strace $0x9FFFFFFF  }
0xc9: {  	(tm) =	ssettm $0x7FFFFFFF  }
tec
execute0_lowered:
.L_overlay_start_1:
0x0: {  	(tag) =	ssettag $0x1  }
0x1: {  	s3 =	rddreg [dreg:$0x0]  }
0x2: {  	s0 =	srdreg.scid;
	s5 =	stileid.u32  }
0x3: {  	s4 =	rddreg [dreg:$0x1];
	s6 =	sand.u32 $0x1, s0;
	s7 =	sshll.u32 s5, $0x1  }
0x4: {  	s2 =	rddreg [dreg:$0x2];
	s7 =	sor.u32 s6, s7;
	s6 =	ssub.s32 $0x2, s6  }
0x5: {  	s1 =	simm.s32 $0x0;
	s9 =	simm.s32 $0x100;
	s30 =	sshrl.u32 s6, $0x1  }
0x6: {  	s10 =	simm.s32 $0x60;
	s14 =	simm.s32 $0x3200;
	s31 =	ssub.s32 s6, s30  }
0x7: {  	s15 =	simm.s32 $0x6200;
	p1 =	por $0x0, $0x0;
	s6 =	smax.u32 s31, $0x1  }
0x8: {  	s0 =	rddreg [dreg:$0x3];
	s8 =	smul.u32 $0x120, s7;
	s19 =	sadd.s32 $0xFFFFFFFF, s6  }
0x9: {  	[smem:$0x7FF] =	sst s1;
	s7 =	smul.u32 $0x1200, s7;
	p2 =	sne.s32 s19, $0x0  }
.Ltmp0:
0xa: {  	s12 =	sadd.s32 $0xC00, s3;
	p0 =	sne.s32 s5, $0x0;
	(pc) =	sbr.rel @!p2 .LBB2_3-.Ltmp0, $4  }
0xb: {  	s5 =	simm.s32 $0x200;
	_ =	strace $0x80000047;
	s8 =	sshrl.u32 s8, $0x3  }
0xc: {  	s16 =	sshrl.u32 @!p0 s2, $0x3;
	s3 =	sadd.s32 s7, s3;
	s13 =	sadd.s32 s4, s8  }
0xd: {  	s3 =	sadd.s32 $0x20C00, s3;
	s4 =	simm.s32 $0x2;
	s8 =	simm.s32 $0x80  }
0xe: {  	s6 =	simm.s32 $0x1;
	s11 =	sadd.s32 $0xC, s13;
	s7 =	sadd.s32 $0x18, s13  }
0xf: {  	s17 =	simm.s32 @!p0 $0x1C02;
	s18 =	simm.s32 @!p0 $0x2  }
0x10: {  	[spmem:s16], [sflag:s17] =	dma.local @!p0 [hbm:s12], $0x20000  }
0x11: {  	_ =	swait.ge @!p0 [sflag:s18], $0x20000  }
0x12: {  	[sflag:s18] =	ssyncset.done @!p0 $0x0  }
0x13: {  	[sflag:s18] =	ssyncadd.s32 @!p0 $0xFFFE0000  }
0x14: {  	[bflag:$0x0] =	sbarrier.arrive $0xFFFF  }
0x15: {  	[tilespmem:s1], [sflag:$0x2] =	stream.linear.gather [hbm4b:s13+s1], $0x60, $0x38;
	[tilespmem:$0x19200] =	vst v63  }
0x16: {  	_ =	swait.ge [sflag:s4], $0x60  }
0x17: {  	[sflag:s4] =	ssyncset.done $0x0  }
0x18: {  	[sflag:s4] =	ssyncadd.s32 $0xFFFFFFA0  }
0x19: {  	[tilespmem:s8], [sflag:$0x2] =	stream.linear.gather [hbm4b:s11+s1], $0x60, $0x38;
	[tilespmem:$0x19200] =	vst v63  }
0x1a: {  	_ =	swait.ge [sflag:s4], $0x60  }
0x1b: {  	[sflag:s4] =	ssyncset.done $0x0  }
0x1c: {  	[sflag:s4] =	ssyncadd.s32 $0xFFFFFFA0  }
0x1d: {  	[tilespmem:s9], [sflag:$0x2] =	stream.linear.gather [hbm4b:s7+s1], $0x60, $0x38;
	[tilespmem:$0x19200] =	vst v63  }
0x1e: {  	_ =	swait.ge [sflag:s4], $0x60  }
0x1f: {  	[sflag:s4] =	ssyncset.done $0x0  }
0x20: {  	[sflag:s4] =	ssyncadd.s32 $0xFFFFFFA0  }
0x21: {  	[tilespmem:s5], [sflag:$0x1] =	stream.indirect.gather [spmem:s2], $0x80, s1, s10, $0xb8;
	[tilespmem:$0x19200] =	vst v63  }
0x22: {  	_ = 	snop  }
0x23: {  	[tilespmem:s14], [sflag:$0x1] =	stream.indirect.gather [spmem:s2], $0x80, s8, s10, $0xb8;
	[tilespmem:$0x19200] =	vst v63  }
0x24: {  	_ = 	snop  }
0x25: {  	[tilespmem:s15], [sflag:$0x1] =	stream.indirect.gather [spmem:s2], $0x80, s9, s10, $0xb8;
	[tilespmem:$0x19200] =	vst v63  }
0x26: {  	_ =	swait.ge [sflag:s6], $0x3000  }
0x27: {  	[sflag:s6] =	ssyncset.done $0x0  }
0x28: {  	[sflag:s6] =	ssyncadd.s32 $0xFFFFD000  }
0x29: {  	_ =	swait.ge [sflag:s6], $0x3000  }
0x2a: {  	[sflag:s6] =	ssyncset.done $0x0  }
0x2b: {  	s19 =	sadd.s32 $0xFFFFFFFF, s19;
	[sflag:s6] =	ssyncadd.s32 $0xFFFFD000  }
0x2c: {  	p2 =	sne.s32 s19, $0x0;
	_ =	swait.ge [sflag:s6], $0x3000  }
.Ltmp1:
0x2d: {  	[sflag:s6] =	ssyncset.done $0x0;
	(pc) =	sbr.rel @!p2 .LBB2_3-.Ltmp1, $4  }
0x2e: {  	[sflag:s6] =	ssyncadd.s32 $0xFFFFD000  }
0x2f: {  	[hbm4b:s3+s1] =	stream.linear.scatter [tilespmem:s5], [sflag:$0x2], $0x9000, $0x38;
	[tilespmem:$0x19200] =	vst v63  }
0x30: {  	_ =	swait.ge [sflag:s4], $0x9000  }
0x31: {  	p1 =	por $0x1, $0x1;
	[sflag:s4] =	ssyncset.done $0x0  }
.LBB2_2:
0x32: {  	[sflag:s4] =	ssyncadd.s32 $0xFFFF7000  }
0x33: {  	[spmem:s16], [sflag:s17] =	dma.local @!p0 [hbm:s12], $0x20000  }
0x34: {  	s19 =	sadd.s32 $0xFFFFFFFF, s19;
	_ =	swait.ge @!p0 [sflag:s18], $0x20000  }
0x35: {  	p2 =	sne.s32 s19, $0x0;
	[sflag:s18] =	ssyncset.done @!p0 $0x0  }
0x36: {  	[sflag:s18] =	ssyncadd.s32 @!p0 $0xFFFE0000  }
0x37: {  	[bflag:$0x0] =	sbarrier.arrive $0xFFFF  }
0x38: {  	[tilespmem:s1], [sflag:$0x2] =	stream.linear.gather [hbm4b:s13+s1], $0x60, $0x38;
	[tilespmem:$0x19200] =	vst v63  }
0x39: {  	_ =	swait.ge [sflag:s4], $0x60  }
0x3a: {  	[sflag:s4] =	ssyncset.done $0x0  }
0x3b: {  	[sflag:s4] =	ssyncadd.s32 $0xFFFFFFA0  }
0x3c: {  	[tilespmem:s8], [sflag:$0x2] =	stream.linear.gather [hbm4b:s11+s1], $0x60, $0x38;
	[tilespmem:$0x19200] =	vst v63  }
0x3d: {  	_ =	swait.ge [sflag:s4], $0x60  }
0x3e: {  	[sflag:s4] =	ssyncset.done $0x0  }
0x3f: {  	[sflag:s4] =	ssyncadd.s32 $0xFFFFFFA0  }
0x40: {  	[tilespmem:s9], [sflag:$0x2] =	stream.linear.gather [hbm4b:s7+s1], $0x60, $0x38;
	[tilespmem:$0x19200] =	vst v63  }
0x41: {  	_ =	swait.ge [sflag:s4], $0x60  }
0x42: {  	[sflag:s4] =	ssyncset.done $0x0  }
0x43: {  	[sflag:s4] =	ssyncadd.s32 $0xFFFFFFA0  }
0x44: {  	[tilespmem:s5], [sflag:$0x1] =	stream.indirect.gather [spmem:s2], $0x80, s1, s10, $0xb8;
	[tilespmem:$0x19200] =	vst v63  }
0x45: {  	_ = 	snop  }
0x46: {  	[tilespmem:s14], [sflag:$0x1] =	stream.indirect.gather [spmem:s2], $0x80, s8, s10, $0xb8;
	[tilespmem:$0x19200] =	vst v63  }
0x47: {  	_ = 	snop  }
0x48: {  	[tilespmem:s15], [sflag:$0x1] =	stream.indirect.gather [spmem:s2], $0x80, s9, s10, $0xb8;
	[tilespmem:$0x19200] =	vst v63  }
0x49: {  	_ =	swait.ge [sflag:s6], $0x3000  }
0x4a: {  	[sflag:s6] =	ssyncset.done $0x0  }
0x4b: {  	[sflag:s6] =	ssyncadd.s32 $0xFFFFD000  }
0x4c: {  	_ =	swait.ge [sflag:s6], $0x3000  }
0x4d: {  	[sflag:s6] =	ssyncset.done $0x0  }
0x4e: {  	[sflag:s6] =	ssyncadd.s32 $0xFFFFD000  }
0x4f: {  	_ =	swait.ge [sflag:s6], $0x3000  }
.Ltmp2:
0x50: {  	[sflag:s6] =	ssyncset.done $0x0;
	(pc) =	sbr.rel @p2 .LBB2_2-.Ltmp2, $4  }
0x51: {  	[sflag:s6] =	ssyncadd.s32 $0xFFFFD000  }
0x52: {  	[hbm4b:s3+s1] =	stream.linear.scatter [tilespmem:s5], [sflag:$0x2], $0x9000, $0x38;
	[tilespmem:$0x19200] =	vst v63  }
0x53: {  	_ =	swait.ge [sflag:s4], $0x9000  }
0x54: {  	[sflag:s4] =	ssyncset.done $0x0  }
.LBB2_3:
0x55: {  	s17 =	simm.s32 @!p0 $0x1C02;
	s18 =	simm.s32 @!p0 $0x2;
	[sflag:s4] =	ssyncadd.s32 @p1 $0xFFFF7000  }
0x56: {  	[spmem:s16], [sflag:s17] =	dma.local @!p0 [hbm:s12], $0x20000  }
0x57: {  	_ =	swait.ge @!p0 [sflag:s18], $0x20000  }
0x58: {  	[sflag:s18] =	ssyncset.done @!p0 $0x0  }
0x59: {  	[sflag:s18] =	ssyncadd.s32 @!p0 $0xFFFE0000  }
0x5a: {  	[bflag:$0x0] =	sbarrier.arrive $0xFFFF  }
0x5b: {  	[tilespmem:s1], [sflag:$0x2] =	stream.linear.gather [hbm4b:s13+s1], $0x60, $0x38;
	[tilespmem:$0x19200] =	vst v63  }
0x5c: {  	_ =	swait.ge [sflag:s4], $0x60  }
0x5d: {  	[sflag:s4] =	ssyncset.done $0x0  }
0x5e: {  	[sflag:s4] =	ssyncadd.s32 $0xFFFFFFA0  }
0x5f: {  	[tilespmem:s8], [sflag:$0x2] =	stream.linear.gather [hbm4b:s11+s1], $0x60, $0x38;
	[tilespmem:$0x19200] =	vst v63  }
0x60: {  	_ =	swait.ge [sflag:s4], $0x60  }
0x61: {  	[sflag:s4] =	ssyncset.done $0x0  }
0x62: {  	[sflag:s4] =	ssyncadd.s32 $0xFFFFFFA0  }
0x63: {  	[tilespmem:s9], [sflag:$0x2] =	stream.linear.gather [hbm4b:s7+s1], $0x60, $0x38;
	[tilespmem:$0x19200] =	vst v63  }
0x64: {  	_ =	swait.ge [sflag:s4], $0x60  }
0x65: {  	[sflag:s4] =	ssyncset.done $0x0  }
0x66: {  	[sflag:s4] =	ssyncadd.s32 $0xFFFFFFA0  }
0x67: {  	[tilespmem:s5], [sflag:$0x1] =	stream.indirect.gather [spmem:s2], $0x80, s1, s10, $0xb8;
	[tilespmem:$0x19200] =	vst v63  }
0x68: {  	_ = 	snop  }
0x69: {  	[tilespmem:s14], [sflag:$0x1] =	stream.indirect.gather [spmem:s2], $0x80, s8, s10, $0xb8;
	[tilespmem:$0x19200] =	vst v63  }
0x6a: {  	_ = 	snop  }
0x6b: {  	[tilespmem:s15], [sflag:$0x1] =	stream.indirect.gather [spmem:s2], $0x80, s9, s10, $0xb8;
	[tilespmem:$0x19200] =	vst v63  }
0x6c: {  	_ =	swait.ge [sflag:s6], $0x3000  }
0x6d: {  	[sflag:s6] =	ssyncset.done $0x0  }
0x6e: {  	[sflag:s6] =	ssyncadd.s32 $0xFFFFD000  }
0x6f: {  	_ =	swait.ge [sflag:s6], $0x3000  }
0x70: {  	[sflag:s6] =	ssyncset.done $0x0  }
0x71: {  	[sflag:s6] =	ssyncadd.s32 $0xFFFFD000  }
0x72: {  	_ =	swait.ge [sflag:s6], $0x3000  }
0x73: {  	[sflag:s6] =	ssyncset.done $0x0  }
0x74: {  	[sflag:s6] =	ssyncadd.s32 $0xFFFFD000  }
0x75: {  	[hbm4b:s3+s1] =	stream.linear.scatter [tilespmem:s5], [sflag:$0x2], $0x9000, $0x38;
	[tilespmem:$0x19200] =	vst v63  }
0x76: {  	_ =	swait.ge [sflag:s4], $0x9000  }
0x77: {  	[sflag:s4] =	ssyncset.done $0x0  }
0x78: {  	[sflag:s4] =	ssyncadd.s32 $0xFFFF7000  }
0x79: {  	_ =	sfence.sel $0x180000  }
0x7a: {  	[bflag:$0x0] =	sbarrier.arrive $0xFFFF  }
0x7b: {  	_ =	strace $0x90000047  }
0x7c: {  	s0 =	sadd.s32 @!p0 $0x100000, s0;
	[bflag:$0x2] =	sbarrier.arrive $0xFFFF  }
0x7d: {  	[sflag:s0] =	ssyncadd.tile.s32 @!p0 $0x1;
	_ =	shalt  }
.Lfunc_end2:
_tile_overlayer_lowered:
.L_overlay_start_2:
0x7e: {  	(tag) =	ssettag $0x2  }
0x7f: {  	s0 =	rddreg [dreg:$0x0];
	s2 =	stileid.u32  }
0x80: {  	s1 =	rddreg [dreg:$0x1];
	p0 =	sne.s32 s2, $0x0  }
0x81: {  	s3 =	rddreg [dreg:$0x2];
	[bflag:$0x3] =	sbarrier.arrive $0xFFFF;
	s2 =	simm.s32 @!p0 $0x1C02  }
0x82: {  	[timem:s3], [sflag:s2] =	dma.local @!p0 [hbm:s0], s1  }
0x83: {  	s0 =	simm.s32 @!p0 $0x2  }
0x84: {  	_ =	swait.ge @!p0 [sflag:s0], s1  }
0x85: {  	s1 =	ssub.s32 @!p0 $0x0, s1;
	[sflag:s0] =	ssyncset.done @!p0 $0x0  }
0x86: {  	[sflag:s0] =	ssyncadd.s32 @!p0 s1  }
0x87: {  	[bflag:$0x3] =	sbarrier.arrive $0xFFFF  }
0x88: {  	_ =	shalt  }

</sc_bundles>
